<compile_context>
chip_gen: v7x
topology: tpu7x:2x2x1
jax: 0.10.2.dev20260603
libtpu: 0.0.44.dev20260713+nightly
codegen_flags: <defaults>
</compile_context>

<pallas_src>
import functools

import jax
import jax.numpy as jnp
from jax import lax
from jax.experimental import pallas as pl
from jax.experimental.pallas import tpu as pltpu
from jax.experimental.pallas import tpu_sc as plsc

_LANE = 128
_K = 2
_NBUF = 3


def _emb_lookup(idx2, table, *, rows_per_w, n_cores):
    NR = idx2.shape[0]
    D = table.shape[1]
    B = NR * _LANE
    n_sc = rows_per_w // _K
    n_groups = n_sc // _NBUF
    n_tail = n_sc - n_groups * _NBUF

    mesh = plsc.VectorSubcoreMesh(core_axis_name="c", subcore_axis_name="s")

    @functools.partial(
        pl.kernel,
        out_type=jax.ShapeDtypeStruct((B, D), jnp.float32),
        mesh=mesh,
        scratch_types=[
            pltpu.VMEM((rows_per_w, _LANE), jnp.int32),
            pltpu.VMEM((_NBUF, _K * _LANE, D), jnp.float32),
            pltpu.SemaphoreType.DMA((_NBUF,)),
            pltpu.SemaphoreType.DMA((_NBUF,)),
        ],
    )
    def emb(idx_hbm, tab_hbm, out_hbm, idx_v, rows_v, gsem, osem):
        wid = lax.axis_index("s") * n_cores + lax.axis_index("c")
        r0 = wid * rows_per_w

        pltpu.sync_copy(idx_hbm.at[pl.ds(r0, rows_per_w)], idx_v)

        def g_fire(c, b):
            for j in range(_K):
                pltpu.async_copy(
                    tab_hbm.at[idx_v.at[c * _K + j]],
                    rows_v.at[b, pl.ds(j * _LANE, _LANE)],
                    gsem.at[b])

        def g_wait(c, b):
            for j in range(_K):
                pltpu.make_async_copy(
                    tab_hbm.at[idx_v.at[c * _K + j]],
                    rows_v.at[b, pl.ds(j * _LANE, _LANE)],
                    gsem.at[b]).wait()

        def w_fire(c, b):
            pltpu.async_copy(
                rows_v.at[b],
                out_hbm.at[pl.ds((r0 + c * _K) * _LANE, _K * _LANE)],
                osem.at[b])

        def w_wait(c, b):
            pltpu.make_async_copy(
                rows_v.at[b],
                out_hbm.at[pl.ds((r0 + c * _K) * _LANE, _K * _LANE)],
                osem.at[b]).wait()

        for b in range(_NBUF):
            g_fire(b, b)

        @pl.loop(0, n_groups)
        def grp(g):
            c0 = g * _NBUF
            for b in range(_NBUF):
                g_wait(c0 + b, b)
                w_fire(c0 + b, b)
            for b in range(_NBUF):
                cn = c0 + _NBUF + b

                @pl.when(cn < n_sc)
                def _():
                    w_wait(cn - _NBUF, b)
                    g_fire(cn, b)

        for b in range(n_tail):
            c = n_groups * _NBUF + b
            g_wait(c, b)
            w_fire(c, b)
        for b in range(n_tail):
            w_wait(n_groups * _NBUF + b, b)
        for b in range(_NBUF - n_tail):
            w_wait(n_groups * _NBUF - _NBUF + n_tail + b, n_tail + b)

    return emb(idx2, table)


def kernel(token_ids, table):
    B0, S = token_ids.shape
    V, D = table.shape
    B = B0 * S
    idx = token_ids.reshape(B).astype(jnp.int32)
    NR = B // _LANE
    info = plsc.get_sparse_core_info()
    NW = info.num_cores * info.num_subcores
    rows_per_w = NR // NW
    idx2 = idx.reshape(NR, _LANE)
    out = _emb_lookup(idx2, table, rows_per_w=rows_per_w,
                      n_cores=info.num_cores)
    return out.reshape(B0, S, D)

# --- scband reference (transcript-rebuilt; emitter-appended) ---
"""Pipeline reference for scband-embedding-35502199669396 (READ-ONLY COPY).

The authoritative reference and input builder live on the scoring server;
editing this copy changes nothing except your own understanding.
"""

import jax, jax.numpy as jnp
import numpy as np

VOCAB = 100000
D_MODEL = 128
PAD_IDX = 0

def setup_inputs(seed: int = 0) -> dict:
    key = jax.random.key(seed)
    k_tab, k_idx = jax.random.split(key)
    table = jax.random.normal(k_tab, (VOCAB, D_MODEL), dtype=jnp.float32)
    # nn.Embedding with padding_idx zeros out that row
    table = table.at[PAD_IDX].set(0.0)
    token_ids = jax.random.randint(k_idx, (4096, 200), 0, VOCAB, dtype=jnp.int64)
    return {"token_ids": token_ids, "table": table}

def reference(token_ids, table):
    # Faithful to nn.Embedding forward: gather rows of the table by token id.
    return jnp.take(table, token_ids, axis=0)

if __name__ == "__main__":
    import jax
    _d = setup_inputs()
    print(jax.jit(kernel)(*tuple(_d.values())))

</pallas_src>

<mosaic_0001>
#map = affine_map<(d0, d1) -> (0, 0)>
module attributes {stable_mosaic.version = 14 : i64} {
  func.func @emb(%arg0: i32, %arg1: i32, %arg2: memref<6400x128xi32, #tpu.memory_space<hbm>>, %arg3: memref<100000x128xf32, #tpu.memory_space<hbm>>, %arg4: memref<819200x128xf32, #tpu.memory_space<hbm>>, %arg5: memref<200x128xi32, #tpu.memory_space<vmem>>, %arg6: memref<3x256x128xf32, #tpu.memory_space<vmem>>, %arg7: memref<3x!tpu.dma_semaphore, #tpu.memory_space<semaphore_mem>>, %arg8: memref<3x!tpu.dma_semaphore, #tpu.memory_space<semaphore_mem>>) attributes {dimension_semantics = [#tpu.dimension_semantics<core_parallel>, #tpu.dimension_semantics<subcore_parallel>], iteration_bounds = array<i64: 2, 16>, scalar_prefetch = 0 : i64, scratch_operands = 4 : i64, tpu.core_type = #tpu.core_type<sc_vector_subcore>, window_params = [{transform_indices = #map}, {transform_indices = #map}, {transform_indices = #map}]} {
    %mul3A = arith.constant 2 : i32
    %mul3A_0 = arith.muli %arg1, %mul3A : i32
    %add3A = arith.addi %mul3A_0, %arg0 : i32
    %mul3A_1 = arith.constant 200 : i32
    %mul3A_2 = arith.muli %add3A, %mul3A_1 : i32
    "tpu.region"() ({
      %run_scoped3A = tpu.sem_alloc : memref<!tpu.dma_semaphore, #tpu.memory_space<semaphore_mem>>
      %dma_start3A_205 = arith.constant 0 : i32
      %dma_start3A_206 = tpu.memref_slice %arg2[%mul3A_2, %dma_start3A_205] : memref<6400x128xi32, #tpu.memory_space<hbm>> -> memref<200x128xi32, #tpu.memory_space<hbm>>
      %dma_start3A_207 = arith.constant 0 : i32
      %dma_start3A_208 = tpu.memref_slice %arg2[%mul3A_2, %dma_start3A_207] : memref<6400x128xi32, #tpu.memory_space<hbm>> -> memref<200x128xi32, #tpu.memory_space<hbm>>
      tpu.enqueue_dma source(%dma_start3A_208 : memref<200x128xi32, #tpu.memory_space<hbm>>) target(%arg5 : memref<200x128xi32, #tpu.memory_space<vmem>>) target_semaphore(%run_scoped3A : memref<!tpu.dma_semaphore, #tpu.memory_space<semaphore_mem>>)
      %dma_wait3A_209 = arith.constant 0 : i32
      %dma_wait3A_210 = tpu.memref_slice %arg2[%mul3A_2, %dma_wait3A_209] : memref<6400x128xi32, #tpu.memory_space<hbm>> -> memref<200x128xi32, #tpu.memory_space<hbm>>
      %dma_wait3A_211 = arith.constant 0 : i32
      %dma_wait3A_212 = tpu.memref_slice %arg2[%mul3A_2, %dma_wait3A_211] : memref<6400x128xi32, #tpu.memory_space<hbm>> -> memref<200x128xi32, #tpu.memory_space<hbm>>
      tpu.wait_dma2 semaphore(%run_scoped3A : memref<!tpu.dma_semaphore, #tpu.memory_space<semaphore_mem>>) src(%dma_wait3A_212 : memref<200x128xi32, #tpu.memory_space<hbm>>) dst(%arg5 : memref<200x128xi32, #tpu.memory_space<vmem>>)
      tpu.yield
    }) : () -> ()
    %dma_start3A = arith.constant 0 : i32
    %dma_start3A_3 = arith.constant 0 : i32
    %dma_start3A_4 = arith.constant 0 : i32
    %dma_start3A_5 = arith.constant 0 : i32
    %dma_start3A_6 = arith.constant 0 : i32
    %dma_start3A_7 = tpu.memref_slice %arg6[%dma_start3A_3, %dma_start3A_5, %dma_start3A_6] : memref<3x256x128xf32, #tpu.memory_space<vmem>> -> memref<1x128x128xf32, #tpu.memory_space<vmem>>
    %dma_start3A_8 = tpu.memref_squeeze %dma_start3A_7 : memref<1x128x128xf32, #tpu.memory_space<vmem>> -> memref<128x128xf32, #tpu.memory_space<vmem>>
    %dma_start3A_9 = arith.constant 0 : i32
    %dma_start3A_10 = tpu.memref_slice %arg5[%dma_start3A, %dma_start3A_9] : memref<200x128xi32, #tpu.memory_space<vmem>> -> memref<1x128xi32, #tpu.memory_space<vmem>>
    %dma_start3A_11 = tpu.memref_squeeze %dma_start3A_10 : memref<1x128xi32, #tpu.memory_space<vmem>> -> memref<128xi32, #tpu.memory_space<vmem>>
    %dma_start3A_12 = arith.constant 0 : i32
    %dma_start3A_13 = arith.constant 0 : i32
    %dma_start3A_14 = tpu.memref_slice %arg3[%dma_start3A_12, %dma_start3A_13] : memref<100000x128xf32, #tpu.memory_space<hbm>> -> memref<100000x128xf32, #tpu.memory_space<hbm>>
    %dma_start3A_15 = tpu.memref_slice %arg7[%dma_start3A_4] : memref<3x!tpu.dma_semaphore, #tpu.memory_space<semaphore_mem>> -> memref<1x!tpu.dma_semaphore, #tpu.memory_space<semaphore_mem>>
    %dma_start3A_16 = tpu.memref_squeeze %dma_start3A_15 : memref<1x!tpu.dma_semaphore, #tpu.memory_space<semaphore_mem>> -> memref<!tpu.dma_semaphore, #tpu.memory_space<semaphore_mem>>
    tpu.enqueue_indirect_dma source(%dma_start3A_14 : memref<100000x128xf32, #tpu.memory_space<hbm>>) target(%dma_start3A_8 : memref<128x128xf32, #tpu.memory_space<vmem>>) offsets(%dma_start3A_11 : memref<128xi32, #tpu.memory_space<vmem>>) semaphore(%dma_start3A_16 : memref<!tpu.dma_semaphore, #tpu.memory_space<semaphore_mem>>)
    %dma_start3A_17 = arith.constant 1 : i32
    %dma_start3A_18 = arith.constant 0 : i32
    %dma_start3A_19 = arith.constant 0 : i32
    %dma_start3A_20 = arith.constant 128 : i32
    %dma_start3A_21 = arith.constant 0 : i32
    %dma_start3A_22 = tpu.memref_slice %arg6[%dma_start3A_18, %dma_start3A_20, %dma_start3A_21] : memref<3x256x128xf32, #tpu.memory_space<vmem>> -> memref<1x128x128xf32, #tpu.memory_space<vmem>>
    %dma_start3A_23 = tpu.memref_squeeze %dma_start3A_22 : memref<1x128x128xf32, #tpu.memory_space<vmem>> -> memref<128x128xf32, #tpu.memory_space<vmem>>
    %dma_start3A_24 = arith.constant 0 : i32
    %dma_start3A_25 = tpu.memref_slice %arg5[%dma_start3A_17, %dma_start3A_24] : memref<200x128xi32, #tpu.memory_space<vmem>> -> memref<1x128xi32, #tpu.memory_space<vmem>>
    %dma_start3A_26 = tpu.memref_squeeze %dma_start3A_25 : memref<1x128xi32, #tpu.memory_space<vmem>> -> memref<128xi32, #tpu.memory_space<vmem>>
    %dma_start3A_27 = arith.constant 0 : i32
    %dma_start3A_28 = arith.constant 0 : i32
    %dma_start3A_29 = tpu.memref_slice %arg3[%dma_start3A_27, %dma_start3A_28] : memref<100000x128xf32, #tpu.memory_space<hbm>> -> memref<100000x128xf32, #tpu.memory_space<hbm>>
    %dma_start3A_30 = tpu.memref_slice %arg7[%dma_start3A_19] : memref<3x!tpu.dma_semaphore, #tpu.memory_space<semaphore_mem>> -> memref<1x!tpu.dma_semaphore, #tpu.memory_space<semaphore_mem>>
    %dma_start3A_31 = tpu.memref_squeeze %dma_start3A_30 : memref<1x!tpu.dma_semaphore, #tpu.memory_space<semaphore_mem>> -> memref<!tpu.dma_semaphore, #tpu.memory_space<semaphore_mem>>
    tpu.enqueue_indirect_dma source(%dma_start3A_29 : memref<100000x128xf32, #tpu.memory_space<hbm>>) target(%dma_start3A_23 : memref<128x128xf32, #tpu.memory_space<vmem>>) offsets(%dma_start3A_26 : memref<128xi32, #tpu.memory_space<vmem>>) semaphore(%dma_start3A_31 : memref<!tpu.dma_semaphore, #tpu.memory_space<semaphore_mem>>)
    %dma_start3A_32 = arith.constant 2 : i32
    %dma_start3A_33 = arith.constant 1 : i32
    %dma_start3A_34 = arith.constant 1 : i32
    %dma_start3A_35 = arith.constant 0 : i32
    %dma_start3A_36 = arith.constant 0 : i32
    %dma_start3A_37 = tpu.memref_slice %arg6[%dma_start3A_33, %dma_start3A_35, %dma_start3A_36] : memref<3x256x128xf32, #tpu.memory_space<vmem>> -> memref<1x128x128xf32, #tpu.memory_space<vmem>>
    %dma_start3A_38 = tpu.memref_squeeze %dma_start3A_37 : memref<1x128x128xf32, #tpu.memory_space<vmem>> -> memref<128x128xf32, #tpu.memory_space<vmem>>
    %dma_start3A_39 = arith.constant 0 : i32
    %dma_start3A_40 = tpu.memref_slice %arg5[%dma_start3A_32, %dma_start3A_39] : memref<200x128xi32, #tpu.memory_space<vmem>> -> memref<1x128xi32, #tpu.memory_space<vmem>>
    %dma_start3A_41 = tpu.memref_squeeze %dma_start3A_40 : memref<1x128xi32, #tpu.memory_space<vmem>> -> memref<128xi32, #tpu.memory_space<vmem>>
    %dma_start3A_42 = arith.constant 0 : i32
    %dma_start3A_43 = arith.constant 0 : i32
    %dma_start3A_44 = tpu.memref_slice %arg3[%dma_start3A_42, %dma_start3A_43] : memref<100000x128xf32, #tpu.memory_space<hbm>> -> memref<100000x128xf32, #tpu.memory_space<hbm>>
    %dma_start3A_45 = tpu.memref_slice %arg7[%dma_start3A_34] : memref<3x!tpu.dma_semaphore, #tpu.memory_space<semaphore_mem>> -> memref<1x!tpu.dma_semaphore, #tpu.memory_space<semaphore_mem>>
    %dma_start3A_46 = tpu.memref_squeeze %dma_start3A_45 : memref<1x!tpu.dma_semaphore, #tpu.memory_space<semaphore_mem>> -> memref<!tpu.dma_semaphore, #tpu.memory_space<semaphore_mem>>
    tpu.enqueue_indirect_dma source(%dma_start3A_44 : memref<100000x128xf32, #tpu.memory_space<hbm>>) target(%dma_start3A_38 : memref<128x128xf32, #tpu.memory_space<vmem>>) offsets(%dma_start3A_41 : memref<128xi32, #tpu.memory_space<vmem>>) semaphore(%dma_start3A_46 : memref<!tpu.dma_semaphore, #tpu.memory_space<semaphore_mem>>)
    %dma_start3A_47 = arith.constant 3 : i32
    %dma_start3A_48 = arith.constant 1 : i32
    %dma_start3A_49 = arith.constant 1 : i32
    %dma_start3A_50 = arith.constant 128 : i32
    %dma_start3A_51 = arith.constant 0 : i32
    %dma_start3A_52 = tpu.memref_slice %arg6[%dma_start3A_48, %dma_start3A_50, %dma_start3A_51] : memref<3x256x128xf32, #tpu.memory_space<vmem>> -> memref<1x128x128xf32, #tpu.memory_space<vmem>>
    %dma_start3A_53 = tpu.memref_squeeze %dma_start3A_52 : memref<1x128x128xf32, #tpu.memory_space<vmem>> -> memref<128x128xf32, #tpu.memory_space<vmem>>
    %dma_start3A_54 = arith.constant 0 : i32
    %dma_start3A_55 = tpu.memref_slice %arg5[%dma_start3A_47, %dma_start3A_54] : memref<200x128xi32, #tpu.memory_space<vmem>> -> memref<1x128xi32, #tpu.memory_space<vmem>>
    %dma_start3A_56 = tpu.memref_squeeze %dma_start3A_55 : memref<1x128xi32, #tpu.memory_space<vmem>> -> memref<128xi32, #tpu.memory_space<vmem>>
    %dma_start3A_57 = arith.constant 0 : i32
    %dma_start3A_58 = arith.constant 0 : i32
    %dma_start3A_59 = tpu.memref_slice %arg3[%dma_start3A_57, %dma_start3A_58] : memref<100000x128xf32, #tpu.memory_space<hbm>> -> memref<100000x128xf32, #tpu.memory_space<hbm>>
    %dma_start3A_60 = tpu.memref_slice %arg7[%dma_start3A_49] : memref<3x!tpu.dma_semaphore, #tpu.memory_space<semaphore_mem>> -> memref<1x!tpu.dma_semaphore, #tpu.memory_space<semaphore_mem>>
    %dma_start3A_61 = tpu.memref_squeeze %dma_start3A_60 : memref<1x!tpu.dma_semaphore, #tpu.memory_space<semaphore_mem>> -> memref<!tpu.dma_semaphore, #tpu.memory_space<semaphore_mem>>
    tpu.enqueue_indirect_dma source(%dma_start3A_59 : memref<100000x128xf32, #tpu.memory_space<hbm>>) target(%dma_start3A_53 : memref<128x128xf32, #tpu.memory_space<vmem>>) offsets(%dma_start3A_56 : memref<128xi32, #tpu.memory_space<vmem>>) semaphore(%dma_start3A_61 : memref<!tpu.dma_semaphore, #tpu.memory_space<semaphore_mem>>)
    %dma_start3A_62 = arith.constant 4 : i32
    %dma_start3A_63 = arith.constant 2 : i32
    %dma_start3A_64 = arith.constant 2 : i32
    %dma_start3A_65 = arith.constant 0 : i32
    %dma_start3A_66 = arith.constant 0 : i32
    %dma_start3A_67 = tpu.memref_slice %arg6[%dma_start3A_63, %dma_start3A_65, %dma_start3A_66] : memref<3x256x128xf32, #tpu.memory_space<vmem>> -> memref<1x128x128xf32, #tpu.memory_space<vmem>>
    %dma_start3A_68 = tpu.memref_squeeze %dma_start3A_67 : memref<1x128x128xf32, #tpu.memory_space<vmem>> -> memref<128x128xf32, #tpu.memory_space<vmem>>
    %dma_start3A_69 = arith.constant 0 : i32
    %dma_start3A_70 = tpu.memref_slice %arg5[%dma_start3A_62, %dma_start3A_69] : memref<200x128xi32, #tpu.memory_space<vmem>> -> memref<1x128xi32, #tpu.memory_space<vmem>>
    %dma_start3A_71 = tpu.memref_squeeze %dma_start3A_70 : memref<1x128xi32, #tpu.memory_space<vmem>> -> memref<128xi32, #tpu.memory_space<vmem>>
    %dma_start3A_72 = arith.constant 0 : i32
    %dma_start3A_73 = arith.constant 0 : i32
    %dma_start3A_74 = tpu.memref_slice %arg3[%dma_start3A_72, %dma_start3A_73] : memref<100000x128xf32, #tpu.memory_space<hbm>> -> memref<100000x128xf32, #tpu.memory_space<hbm>>
    %dma_start3A_75 = tpu.memref_slice %arg7[%dma_start3A_64] : memref<3x!tpu.dma_semaphore, #tpu.memory_space<semaphore_mem>> -> memref<1x!tpu.dma_semaphore, #tpu.memory_space<semaphore_mem>>
    %dma_start3A_76 = tpu.memref_squeeze %dma_start3A_75 : memref<1x!tpu.dma_semaphore, #tpu.memory_space<semaphore_mem>> -> memref<!tpu.dma_semaphore, #tpu.memory_space<semaphore_mem>>
    tpu.enqueue_indirect_dma source(%dma_start3A_74 : memref<100000x128xf32, #tpu.memory_space<hbm>>) target(%dma_start3A_68 : memref<128x128xf32, #tpu.memory_space<vmem>>) offsets(%dma_start3A_71 : memref<128xi32, #tpu.memory_space<vmem>>) semaphore(%dma_start3A_76 : memref<!tpu.dma_semaphore, #tpu.memory_space<semaphore_mem>>)
    %dma_start3A_77 = arith.constant 5 : i32
    %dma_start3A_78 = arith.constant 2 : i32
    %dma_start3A_79 = arith.constant 2 : i32
    %dma_start3A_80 = arith.constant 128 : i32
    %dma_start3A_81 = arith.constant 0 : i32
    %dma_start3A_82 = tpu.memref_slice %arg6[%dma_start3A_78, %dma_start3A_80, %dma_start3A_81] : memref<3x256x128xf32, #tpu.memory_space<vmem>> -> memref<1x128x128xf32, #tpu.memory_space<vmem>>
    %dma_start3A_83 = tpu.memref_squeeze %dma_start3A_82 : memref<1x128x128xf32, #tpu.memory_space<vmem>> -> memref<128x128xf32, #tpu.memory_space<vmem>>
    %dma_start3A_84 = arith.constant 0 : i32
    %dma_start3A_85 = tpu.memref_slice %arg5[%dma_start3A_77, %dma_start3A_84] : memref<200x128xi32, #tpu.memory_space<vmem>> -> memref<1x128xi32, #tpu.memory_space<vmem>>
    %dma_start3A_86 = tpu.memref_squeeze %dma_start3A_85 : memref<1x128xi32, #tpu.memory_space<vmem>> -> memref<128xi32, #tpu.memory_space<vmem>>
    %dma_start3A_87 = arith.constant 0 : i32
    %dma_start3A_88 = arith.constant 0 : i32
    %dma_start3A_89 = tpu.memref_slice %arg3[%dma_start3A_87, %dma_start3A_88] : memref<100000x128xf32, #tpu.memory_space<hbm>> -> memref<100000x128xf32, #tpu.memory_space<hbm>>
    %dma_start3A_90 = tpu.memref_slice %arg7[%dma_start3A_79] : memref<3x!tpu.dma_semaphore, #tpu.memory_space<semaphore_mem>> -> memref<1x!tpu.dma_semaphore, #tpu.memory_space<semaphore_mem>>
    %dma_start3A_91 = tpu.memref_squeeze %dma_start3A_90 : memref<1x!tpu.dma_semaphore, #tpu.memory_space<semaphore_mem>> -> memref<!tpu.dma_semaphore, #tpu.memory_space<semaphore_mem>>
    tpu.enqueue_indirect_dma source(%dma_start3A_89 : memref<100000x128xf32, #tpu.memory_space<hbm>>) target(%dma_start3A_83 : memref<128x128xf32, #tpu.memory_space<vmem>>) offsets(%dma_start3A_86 : memref<128xi32, #tpu.memory_space<vmem>>) semaphore(%dma_start3A_91 : memref<!tpu.dma_semaphore, #tpu.memory_space<semaphore_mem>>)
    %scan3A = arith.constant 0 : i32
    %scan3A_92 = arith.constant 33 : i32
    %scan3A_93 = arith.addi %scan3A, %scan3A_92 : i32
    %scan3A_94 = arith.constant 1 : i32
    scf.for %scan3A_205 = %scan3A to %scan3A_93 step %scan3A_94  : i32 {
      %mul3A_206 = arith.constant 1 : i32
      %mul3A_207 = arith.muli %scan3A_205, %mul3A_206 : i32
      %add3A_208 = arith.constant 0 : i32
      %add3A_209 = arith.addi %add3A_208, %mul3A_207 : i32
      %mul3A_210 = arith.constant 3 : i32
      %mul3A_211 = arith.muli %add3A_209, %mul3A_210 : i32
      %add3A_212 = arith.constant 0 : i32
      %add3A_213 = arith.addi %mul3A_211, %add3A_212 : i32
      %mul3A_214 = arith.constant 2 : i32
      %mul3A_215 = arith.muli %add3A_213, %mul3A_214 : i32
      %add3A_216 = arith.constant 0 : i32
      %add3A_217 = arith.addi %mul3A_215, %add3A_216 : i32
      %dma_wait3A_218 = arith.constant 0 : i32
      %dma_wait3A_219 = arith.constant 0 : i32
      %dma_wait3A_220 = arith.constant 0 : i32
      %dma_wait3A_221 = arith.constant 0 : i32
      %dma_wait3A_222 = tpu.memref_slice %arg6[%dma_wait3A_218, %dma_wait3A_220, %dma_wait3A_221] : memref<3x256x128xf32, #tpu.memory_space<vmem>> -> memref<1x128x128xf32, #tpu.memory_space<vmem>>
      %dma_wait3A_223 = tpu.memref_squeeze %dma_wait3A_222 : memref<1x128x128xf32, #tpu.memory_space<vmem>> -> memref<128x128xf32, #tpu.memory_space<vmem>>
      %dma_wait3A_224 = arith.constant 0 : i32
      %dma_wait3A_225 = tpu.memref_slice %arg5[%add3A_217, %dma_wait3A_224] : memref<200x128xi32, #tpu.memory_space<vmem>> -> memref<1x128xi32, #tpu.memory_space<vmem>>
      %dma_wait3A_226 = tpu.memref_squeeze %dma_wait3A_225 : memref<1x128xi32, #tpu.memory_space<vmem>> -> memref<128xi32, #tpu.memory_space<vmem>>
      %dma_wait3A_227 = arith.constant 0 : i32
      %dma_wait3A_228 = arith.constant 0 : i32
      %dma_wait3A_229 = tpu.memref_slice %arg3[%dma_wait3A_227, %dma_wait3A_228] : memref<100000x128xf32, #tpu.memory_space<hbm>> -> memref<100000x128xf32, #tpu.memory_space<hbm>>
      %dma_wait3A_230 = tpu.memref_slice %arg7[%dma_wait3A_219] : memref<3x!tpu.dma_semaphore, #tpu.memory_space<semaphore_mem>> -> memref<1x!tpu.dma_semaphore, #tpu.memory_space<semaphore_mem>>
      %dma_wait3A_231 = tpu.memref_squeeze %dma_wait3A_230 : memref<1x!tpu.dma_semaphore, #tpu.memory_space<semaphore_mem>> -> memref<!tpu.dma_semaphore, #tpu.memory_space<semaphore_mem>>
      tpu.wait_indirect_dma semaphore(%dma_wait3A_231 : memref<!tpu.dma_semaphore, #tpu.memory_space<semaphore_mem>>) src(%dma_wait3A_229 : memref<100000x128xf32, #tpu.memory_space<hbm>>) dst(%dma_wait3A_223 : memref<128x128xf32, #tpu.memory_space<vmem>>)
      %mul3A_232 = arith.constant 2 : i32
      %mul3A_233 = arith.muli %add3A_213, %mul3A_232 : i32
      %add3A_234 = arith.constant 1 : i32
      %add3A_235 = arith.addi %mul3A_233, %add3A_234 : i32
      %dma_wait3A_236 = arith.constant 0 : i32
      %dma_wait3A_237 = arith.constant 0 : i32
      %dma_wait3A_238 = arith.constant 128 : i32
      %dma_wait3A_239 = arith.constant 0 : i32
      %dma_wait3A_240 = tpu.memref_slice %arg6[%dma_wait3A_236, %dma_wait3A_238, %dma_wait3A_239] : memref<3x256x128xf32, #tpu.memory_space<vmem>> -> memref<1x128x128xf32, #tpu.memory_space<vmem>>
      %dma_wait3A_241 = tpu.memref_squeeze %dma_wait3A_240 : memref<1x128x128xf32, #tpu.memory_space<vmem>> -> memref<128x128xf32, #tpu.memory_space<vmem>>
      %dma_wait3A_242 = arith.constant 0 : i32
      %dma_wait3A_243 = tpu.memref_slice %arg5[%add3A_235, %dma_wait3A_242] : memref<200x128xi32, #tpu.memory_space<vmem>> -> memref<1x128xi32, #tpu.memory_space<vmem>>
      %dma_wait3A_244 = tpu.memref_squeeze %dma_wait3A_243 : memref<1x128xi32, #tpu.memory_space<vmem>> -> memref<128xi32, #tpu.memory_space<vmem>>
      %dma_wait3A_245 = arith.constant 0 : i32
      %dma_wait3A_246 = arith.constant 0 : i32
      %dma_wait3A_247 = tpu.memref_slice %arg3[%dma_wait3A_245, %dma_wait3A_246] : memref<100000x128xf32, #tpu.memory_space<hbm>> -> memref<100000x128xf32, #tpu.memory_space<hbm>>
      %dma_wait3A_248 = tpu.memref_slice %arg7[%dma_wait3A_237] : memref<3x!tpu.dma_semaphore, #tpu.memory_space<semaphore_mem>> -> memref<1x!tpu.dma_semaphore, #tpu.memory_space<semaphore_mem>>
      %dma_wait3A_249 = tpu.memref_squeeze %dma_wait3A_248 : memref<1x!tpu.dma_semaphore, #tpu.memory_space<semaphore_mem>> -> memref<!tpu.dma_semaphore, #tpu.memory_space<semaphore_mem>>
      tpu.wait_indirect_dma semaphore(%dma_wait3A_249 : memref<!tpu.dma_semaphore, #tpu.memory_space<semaphore_mem>>) src(%dma_wait3A_247 : memref<100000x128xf32, #tpu.memory_space<hbm>>) dst(%dma_wait3A_241 : memref<128x128xf32, #tpu.memory_space<vmem>>)
      %add3A_250 = arith.constant 0 : i32
      %add3A_251 = arith.addi %mul3A_211, %add3A_250 : i32
      %mul3A_252 = arith.constant 2 : i32
      %mul3A_253 = arith.muli %add3A_251, %mul3A_252 : i32
      %add3A_254 = arith.addi %mul3A_2, %mul3A_253 : i32
      %mul3A_255 = arith.constant 128 : i32
      %mul3A_256 = arith.muli %add3A_254, %mul3A_255 : i32
      %dma_start3A_257 = arith.constant 0 : i32
      %dma_start3A_258 = arith.constant 0 : i32
      %dma_start3A_259 = arith.constant 0 : i32
      %dma_start3A_260 = arith.constant 0 : i32
      %dma_start3A_261 = tpu.memref_slice %arg6[%dma_start3A_257, %dma_start3A_259, %dma_start3A_260] : memref<3x256x128xf32, #tpu.memory_space<vmem>> -> memref<1x256x128xf32, #tpu.memory_space<vmem>>
      %dma_start3A_262 = tpu.memref_squeeze %dma_start3A_261 : memref<1x256x128xf32, #tpu.memory_space<vmem>> -> memref<256x128xf32, #tpu.memory_space<vmem>>
      %dma_start3A_263 = arith.constant 0 : i32
      %dma_start3A_264 = tpu.memref_slice %arg4[%mul3A_256, %dma_start3A_263] : memref<819200x128xf32, #tpu.memory_space<hbm>> -> memref<256x128xf32, #tpu.memory_space<hbm>>
      %dma_start3A_265 = tpu.memref_slice %arg8[%dma_start3A_258] : memref<3x!tpu.dma_semaphore, #tpu.memory_space<semaphore_mem>> -> memref<1x!tpu.dma_semaphore, #tpu.memory_space<semaphore_mem>>
      %dma_start3A_266 = tpu.memref_squeeze %dma_start3A_265 : memref<1x!tpu.dma_semaphore, #tpu.memory_space<semaphore_mem>> -> memref<!tpu.dma_semaphore, #tpu.memory_space<semaphore_mem>>
      %dma_start3A_267 = arith.constant 0 : i32
      %dma_start3A_268 = tpu.memref_slice %arg4[%mul3A_256, %dma_start3A_267] : memref<819200x128xf32, #tpu.memory_space<hbm>> -> memref<256x128xf32, #tpu.memory_space<hbm>>
      %dma_start3A_269 = arith.constant 0 : i32
      %dma_start3A_270 = arith.constant 0 : i32
      %dma_start3A_271 = tpu.memref_slice %arg6[%dma_start3A_257, %dma_start3A_269, %dma_start3A_270] : memref<3x256x128xf32, #tpu.memory_space<vmem>> -> memref<1x256x128xf32, #tpu.memory_space<vmem>>
      %dma_start3A_272 = tpu.memref_squeeze %dma_start3A_271 : memref<1x256x128xf32, #tpu.memory_space<vmem>> -> memref<256x128xf32, #tpu.memory_space<vmem>>
      tpu.enqueue_dma source(%dma_start3A_272 : memref<256x128xf32, #tpu.memory_space<vmem>>) target(%dma_start3A_268 : memref<256x128xf32, #tpu.memory_space<hbm>>) target_semaphore(%dma_start3A_266 : memref<!tpu.dma_semaphore, #tpu.memory_space<semaphore_mem>>)
      %add3A_273 = arith.constant 1 : i32
      %add3A_274 = arith.addi %mul3A_211, %add3A_273 : i32
      %mul3A_275 = arith.constant 2 : i32
      %mul3A_276 = arith.muli %add3A_274, %mul3A_275 : i32
      %add3A_277 = arith.constant 0 : i32
      %add3A_278 = arith.addi %mul3A_276, %add3A_277 : i32
      %dma_wait3A_279 = arith.constant 1 : i32
      %dma_wait3A_280 = arith.constant 1 : i32
      %dma_wait3A_281 = arith.constant 0 : i32
      %dma_wait3A_282 = arith.constant 0 : i32
      %dma_wait3A_283 = tpu.memref_slice %arg6[%dma_wait3A_279, %dma_wait3A_281, %dma_wait3A_282] : memref<3x256x128xf32, #tpu.memory_space<vmem>> -> memref<1x128x128xf32, #tpu.memory_space<vmem>>
      %dma_wait3A_284 = tpu.memref_squeeze %dma_wait3A_283 : memref<1x128x128xf32, #tpu.memory_space<vmem>> -> memref<128x128xf32, #tpu.memory_space<vmem>>
      %dma_wait3A_285 = arith.constant 0 : i32
      %dma_wait3A_286 = tpu.memref_slice %arg5[%add3A_278, %dma_wait3A_285] : memref<200x128xi32, #tpu.memory_space<vmem>> -> memref<1x128xi32, #tpu.memory_space<vmem>>
      %dma_wait3A_287 = tpu.memref_squeeze %dma_wait3A_286 : memref<1x128xi32, #tpu.memory_space<vmem>> -> memref<128xi32, #tpu.memory_space<vmem>>
      %dma_wait3A_288 = arith.constant 0 : i32
      %dma_wait3A_289 = arith.constant 0 : i32
      %dma_wait3A_290 = tpu.memref_slice %arg3[%dma_wait3A_288, %dma_wait3A_289] : memref<100000x128xf32, #tpu.memory_space<hbm>> -> memref<100000x128xf32, #tpu.memory_space<hbm>>
      %dma_wait3A_291 = tpu.memref_slice %arg7[%dma_wait3A_280] : memref<3x!tpu.dma_semaphore, #tpu.memory_space<semaphore_mem>> -> memref<1x!tpu.dma_semaphore, #tpu.memory_space<semaphore_mem>>
      %dma_wait3A_292 = tpu.memref_squeeze %dma_wait3A_291 : memref<1x!tpu.dma_semaphore, #tpu.memory_space<semaphore_mem>> -> memref<!tpu.dma_semaphore, #tpu.memory_space<semaphore_mem>>
      tpu.wait_indirect_dma semaphore(%dma_wait3A_292 : memref<!tpu.dma_semaphore, #tpu.memory_space<semaphore_mem>>) src(%dma_wait3A_290 : memref<100000x128xf32, #tpu.memory_space<hbm>>) dst(%dma_wait3A_284 : memref<128x128xf32, #tpu.memory_space<vmem>>)
      %mul3A_293 = arith.constant 2 : i32
      %mul3A_294 = arith.muli %add3A_274, %mul3A_293 : i32
      %add3A_295 = arith.constant 1 : i32
      %add3A_296 = arith.addi %mul3A_294, %add3A_295 : i32
      %dma_wait3A_297 = arith.constant 1 : i32
      %dma_wait3A_298 = arith.constant 1 : i32
      %dma_wait3A_299 = arith.constant 128 : i32
      %dma_wait3A_300 = arith.constant 0 : i32
      %dma_wait3A_301 = tpu.memref_slice %arg6[%dma_wait3A_297, %dma_wait3A_299, %dma_wait3A_300] : memref<3x256x128xf32, #tpu.memory_space<vmem>> -> memref<1x128x128xf32, #tpu.memory_space<vmem>>
      %dma_wait3A_302 = tpu.memref_squeeze %dma_wait3A_301 : memref<1x128x128xf32, #tpu.memory_space<vmem>> -> memref<128x128xf32, #tpu.memory_space<vmem>>
      %dma_wait3A_303 = arith.constant 0 : i32
      %dma_wait3A_304 = tpu.memref_slice %arg5[%add3A_296, %dma_wait3A_303] : memref<200x128xi32, #tpu.memory_space<vmem>> -> memref<1x128xi32, #tpu.memory_space<vmem>>
      %dma_wait3A_305 = tpu.memref_squeeze %dma_wait3A_304 : memref<1x128xi32, #tpu.memory_space<vmem>> -> memref<128xi32, #tpu.memory_space<vmem>>
      %dma_wait3A_306 = arith.constant 0 : i32
      %dma_wait3A_307 = arith.constant 0 : i32
      %dma_wait3A_308 = tpu.memref_slice %arg3[%dma_wait3A_306, %dma_wait3A_307] : memref<100000x128xf32, #tpu.memory_space<hbm>> -> memref<100000x128xf32, #tpu.memory_space<hbm>>
      %dma_wait3A_309 = tpu.memref_slice %arg7[%dma_wait3A_298] : memref<3x!tpu.dma_semaphore, #tpu.memory_space<semaphore_mem>> -> memref<1x!tpu.dma_semaphore, #tpu.memory_space<semaphore_mem>>
      %dma_wait3A_310 = tpu.memref_squeeze %dma_wait3A_309 : memref<1x!tpu.dma_semaphore, #tpu.memory_space<semaphore_mem>> -> memref<!tpu.dma_semaphore, #tpu.memory_space<semaphore_mem>>
      tpu.wait_indirect_dma semaphore(%dma_wait3A_310 : memref<!tpu.dma_semaphore, #tpu.memory_space<semaphore_mem>>) src(%dma_wait3A_308 : memref<100000x128xf32, #tpu.memory_space<hbm>>) dst(%dma_wait3A_302 : memref<128x128xf32, #tpu.memory_space<vmem>>)
      %add3A_311 = arith.constant 1 : i32
      %add3A_312 = arith.addi %mul3A_211, %add3A_311 : i32
      %mul3A_313 = arith.constant 2 : i32
      %mul3A_314 = arith.muli %add3A_312, %mul3A_313 : i32
      %add3A_315 = arith.addi %mul3A_2, %mul3A_314 : i32
      %mul3A_316 = arith.constant 128 : i32
      %mul3A_317 = arith.muli %add3A_315, %mul3A_316 : i32
      %dma_start3A_318 = arith.constant 1 : i32
      %dma_start3A_319 = arith.constant 1 : i32
      %dma_start3A_320 = arith.constant 0 : i32
      %dma_start3A_321 = arith.constant 0 : i32
      %dma_start3A_322 = tpu.memref_slice %arg6[%dma_start3A_318, %dma_start3A_320, %dma_start3A_321] : memref<3x256x128xf32, #tpu.memory_space<vmem>> -> memref<1x256x128xf32, #tpu.memory_space<vmem>>
      %dma_start3A_323 = tpu.memref_squeeze %dma_start3A_322 : memref<1x256x128xf32, #tpu.memory_space<vmem>> -> memref<256x128xf32, #tpu.memory_space<vmem>>
      %dma_start3A_324 = arith.constant 0 : i32
      %dma_start3A_325 = tpu.memref_slice %arg4[%mul3A_317, %dma_start3A_324] : memref<819200x128xf32, #tpu.memory_space<hbm>> -> memref<256x128xf32, #tpu.memory_space<hbm>>
      %dma_start3A_326 = tpu.memref_slice %arg8[%dma_start3A_319] : memref<3x!tpu.dma_semaphore, #tpu.memory_space<semaphore_mem>> -> memref<1x!tpu.dma_semaphore, #tpu.memory_space<semaphore_mem>>
      %dma_start3A_327 = tpu.memref_squeeze %dma_start3A_326 : memref<1x!tpu.dma_semaphore, #tpu.memory_space<semaphore_mem>> -> memref<!tpu.dma_semaphore, #tpu.memory_space<semaphore_mem>>
      %dma_start3A_328 = arith.constant 0 : i32
      %dma_start3A_329 = tpu.memref_slice %arg4[%mul3A_317, %dma_start3A_328] : memref<819200x128xf32, #tpu.memory_space<hbm>> -> memref<256x128xf32, #tpu.memory_space<hbm>>
      %dma_start3A_330 = arith.constant 0 : i32
      %dma_start3A_331 = arith.constant 0 : i32
      %dma_start3A_332 = tpu.memref_slice %arg6[%dma_start3A_318, %dma_start3A_330, %dma_start3A_331] : memref<3x256x128xf32, #tpu.memory_space<vmem>> -> memref<1x256x128xf32, #tpu.memory_space<vmem>>
      %dma_start3A_333 = tpu.memref_squeeze %dma_start3A_332 : memref<1x256x128xf32, #tpu.memory_space<vmem>> -> memref<256x128xf32, #tpu.memory_space<vmem>>
      tpu.enqueue_dma source(%dma_start3A_333 : memref<256x128xf32, #tpu.memory_space<vmem>>) target(%dma_start3A_329 : memref<256x128xf32, #tpu.memory_space<hbm>>) target_semaphore(%dma_start3A_327 : memref<!tpu.dma_semaphore, #tpu.memory_space<semaphore_mem>>)
      %add3A_334 = arith.constant 2 : i32
      %add3A_335 = arith.addi %mul3A_211, %add3A_334 : i32
      %mul3A_336 = arith.constant 2 : i32
      %mul3A_337 = arith.muli %add3A_335, %mul3A_336 : i32
      %add3A_338 = arith.constant 0 : i32
      %add3A_339 = arith.addi %mul3A_337, %add3A_338 : i32
      %dma_wait3A_340 = arith.constant 2 : i32
      %dma_wait3A_341 = arith.constant 2 : i32
      %dma_wait3A_342 = arith.constant 0 : i32
      %dma_wait3A_343 = arith.constant 0 : i32
      %dma_wait3A_344 = tpu.memref_slice %arg6[%dma_wait3A_340, %dma_wait3A_342, %dma_wait3A_343] : memref<3x256x128xf32, #tpu.memory_space<vmem>> -> memref<1x128x128xf32, #tpu.memory_space<vmem>>
      %dma_wait3A_345 = tpu.memref_squeeze %dma_wait3A_344 : memref<1x128x128xf32, #tpu.memory_space<vmem>> -> memref<128x128xf32, #tpu.memory_space<vmem>>
      %dma_wait3A_346 = arith.constant 0 : i32
      %dma_wait3A_347 = tpu.memref_slice %arg5[%add3A_339, %dma_wait3A_346] : memref<200x128xi32, #tpu.memory_space<vmem>> -> memref<1x128xi32, #tpu.memory_space<vmem>>
      %dma_wait3A_348 = tpu.memref_squeeze %dma_wait3A_347 : memref<1x128xi32, #tpu.memory_space<vmem>> -> memref<128xi32, #tpu.memory_space<vmem>>
      %dma_wait3A_349 = arith.constant 0 : i32
      %dma_wait3A_350 = arith.constant 0 : i32
      %dma_wait3A_351 = tpu.memref_slice %arg3[%dma_wait3A_349, %dma_wait3A_350] : memref<100000x128xf32, #tpu.memory_space<hbm>> -> memref<100000x128xf32, #tpu.memory_space<hbm>>
      %dma_wait3A_352 = tpu.memref_slice %arg7[%dma_wait3A_341] : memref<3x!tpu.dma_semaphore, #tpu.memory_space<semaphore_mem>> -> memref<1x!tpu.dma_semaphore, #tpu.memory_space<semaphore_mem>>
      %dma_wait3A_353 = tpu.memref_squeeze %dma_wait3A_352 : memref<1x!tpu.dma_semaphore, #tpu.memory_space<semaphore_mem>> -> memref<!tpu.dma_semaphore, #tpu.memory_space<semaphore_mem>>
      tpu.wait_indirect_dma semaphore(%dma_wait3A_353 : memref<!tpu.dma_semaphore, #tpu.memory_space<semaphore_mem>>) src(%dma_wait3A_351 : memref<100000x128xf32, #tpu.memory_space<hbm>>) dst(%dma_wait3A_345 : memref<128x128xf32, #tpu.memory_space<vmem>>)
      %mul3A_354 = arith.constant 2 : i32
      %mul3A_355 = arith.muli %add3A_335, %mul3A_354 : i32
      %add3A_356 = arith.constant 1 : i32
      %add3A_357 = arith.addi %mul3A_355, %add3A_356 : i32
      %dma_wait3A_358 = arith.constant 2 : i32
      %dma_wait3A_359 = arith.constant 2 : i32
      %dma_wait3A_360 = arith.constant 128 : i32
      %dma_wait3A_361 = arith.constant 0 : i32
      %dma_wait3A_362 = tpu.memref_slice %arg6[%dma_wait3A_358, %dma_wait3A_360, %dma_wait3A_361] : memref<3x256x128xf32, #tpu.memory_space<vmem>> -> memref<1x128x128xf32, #tpu.memory_space<vmem>>
      %dma_wait3A_363 = tpu.memref_squeeze %dma_wait3A_362 : memref<1x128x128xf32, #tpu.memory_space<vmem>> -> memref<128x128xf32, #tpu.memory_space<vmem>>
      %dma_wait3A_364 = arith.constant 0 : i32
      %dma_wait3A_365 = tpu.memref_slice %arg5[%add3A_357, %dma_wait3A_364] : memref<200x128xi32, #tpu.memory_space<vmem>> -> memref<1x128xi32, #tpu.memory_space<vmem>>
      %dma_wait3A_366 = tpu.memref_squeeze %dma_wait3A_365 : memref<1x128xi32, #tpu.memory_space<vmem>> -> memref<128xi32, #tpu.memory_space<vmem>>
      %dma_wait3A_367 = arith.constant 0 : i32
      %dma_wait3A_368 = arith.constant 0 : i32
      %dma_wait3A_369 = tpu.memref_slice %arg3[%dma_wait3A_367, %dma_wait3A_368] : memref<100000x128xf32, #tpu.memory_space<hbm>> -> memref<100000x128xf32, #tpu.memory_space<hbm>>
      %dma_wait3A_370 = tpu.memref_slice %arg7[%dma_wait3A_359] : memref<3x!tpu.dma_semaphore, #tpu.memory_space<semaphore_mem>> -> memref<1x!tpu.dma_semaphore, #tpu.memory_space<semaphore_mem>>
      %dma_wait3A_371 = tpu.memref_squeeze %dma_wait3A_370 : memref<1x!tpu.dma_semaphore, #tpu.memory_space<semaphore_mem>> -> memref<!tpu.dma_semaphore, #tpu.memory_space<semaphore_mem>>
      tpu.wait_indirect_dma semaphore(%dma_wait3A_371 : memref<!tpu.dma_semaphore, #tpu.memory_space<semaphore_mem>>) src(%dma_wait3A_369 : memref<100000x128xf32, #tpu.memory_space<hbm>>) dst(%dma_wait3A_363 : memref<128x128xf32, #tpu.memory_space<vmem>>)
      %add3A_372 = arith.constant 2 : i32
      %add3A_373 = arith.addi %mul3A_211, %add3A_372 : i32
      %mul3A_374 = arith.constant 2 : i32
      %mul3A_375 = arith.muli %add3A_373, %mul3A_374 : i32
      %add3A_376 = arith.addi %mul3A_2, %mul3A_375 : i32
      %mul3A_377 = arith.constant 128 : i32
      %mul3A_378 = arith.muli %add3A_376, %mul3A_377 : i32
      %dma_start3A_379 = arith.constant 2 : i32
      %dma_start3A_380 = arith.constant 2 : i32
      %dma_start3A_381 = arith.constant 0 : i32
      %dma_start3A_382 = arith.constant 0 : i32
      %dma_start3A_383 = tpu.memref_slice %arg6[%dma_start3A_379, %dma_start3A_381, %dma_start3A_382] : memref<3x256x128xf32, #tpu.memory_space<vmem>> -> memref<1x256x128xf32, #tpu.memory_space<vmem>>
      %dma_start3A_384 = tpu.memref_squeeze %dma_start3A_383 : memref<1x256x128xf32, #tpu.memory_space<vmem>> -> memref<256x128xf32, #tpu.memory_space<vmem>>
      %dma_start3A_385 = arith.constant 0 : i32
      %dma_start3A_386 = tpu.memref_slice %arg4[%mul3A_378, %dma_start3A_385] : memref<819200x128xf32, #tpu.memory_space<hbm>> -> memref<256x128xf32, #tpu.memory_space<hbm>>
      %dma_start3A_387 = tpu.memref_slice %arg8[%dma_start3A_380] : memref<3x!tpu.dma_semaphore, #tpu.memory_space<semaphore_mem>> -> memref<1x!tpu.dma_semaphore, #tpu.memory_space<semaphore_mem>>
      %dma_start3A_388 = tpu.memref_squeeze %dma_start3A_387 : memref<1x!tpu.dma_semaphore, #tpu.memory_space<semaphore_mem>> -> memref<!tpu.dma_semaphore, #tpu.memory_space<semaphore_mem>>
      %dma_start3A_389 = arith.constant 0 : i32
      %dma_start3A_390 = tpu.memref_slice %arg4[%mul3A_378, %dma_start3A_389] : memref<819200x128xf32, #tpu.memory_space<hbm>> -> memref<256x128xf32, #tpu.memory_space<hbm>>
      %dma_start3A_391 = arith.constant 0 : i32
      %dma_start3A_392 = arith.constant 0 : i32
      %dma_start3A_393 = tpu.memref_slice %arg6[%dma_start3A_379, %dma_start3A_391, %dma_start3A_392] : memref<3x256x128xf32, #tpu.memory_space<vmem>> -> memref<1x256x128xf32, #tpu.memory_space<vmem>>
      %dma_start3A_394 = tpu.memref_squeeze %dma_start3A_393 : memref<1x256x128xf32, #tpu.memory_space<vmem>> -> memref<256x128xf32, #tpu.memory_space<vmem>>
      tpu.enqueue_dma source(%dma_start3A_394 : memref<256x128xf32, #tpu.memory_space<vmem>>) target(%dma_start3A_390 : memref<256x128xf32, #tpu.memory_space<hbm>>) target_semaphore(%dma_start3A_388 : memref<!tpu.dma_semaphore, #tpu.memory_space<semaphore_mem>>)
      %add3A_395 = arith.constant 3 : i32
      %add3A_396 = arith.addi %mul3A_211, %add3A_395 : i32
      %add3A_397 = arith.constant 0 : i32
      %add3A_398 = arith.addi %add3A_396, %add3A_397 : i32
      %lt3A = arith.constant 100 : i32
      %lt3A_399 = arith.cmpi slt, %add3A_398, %lt3A : i32
      %convert_element_type3A = arith.extui %lt3A_399 : i1 to i32
      %cond3A = arith.constant 0 : i32
      %cond3A_400 = arith.cmpi ne, %convert_element_type3A, %cond3A : i32
      scf.if %cond3A_400 {
        %sub3A = arith.constant 3 : i32
        %sub3A_419 = arith.subi %add3A_398, %sub3A : i32
        %mul3A_420 = arith.constant 2 : i32
        %mul3A_421 = arith.muli %sub3A_419, %mul3A_420 : i32
        %add3A_422 = arith.addi %mul3A_2, %mul3A_421 : i32
        %mul3A_423 = arith.constant 128 : i32
        %mul3A_424 = arith.muli %add3A_422, %mul3A_423 : i32
        %dma_wait3A_425 = arith.constant 0 : i32
        %dma_wait3A_426 = arith.constant 0 : i32
        %dma_wait3A_427 = arith.constant 0 : i32
        %dma_wait3A_428 = arith.constant 0 : i32
        %dma_wait3A_429 = tpu.memref_slice %arg6[%dma_wait3A_425, %dma_wait3A_427, %dma_wait3A_428] : memref<3x256x128xf32, #tpu.memory_space<vmem>> -> memref<1x256x128xf32, #tpu.memory_space<vmem>>
        %dma_wait3A_430 = tpu.memref_squeeze %dma_wait3A_429 : memref<1x256x128xf32, #tpu.memory_space<vmem>> -> memref<256x128xf32, #tpu.memory_space<vmem>>
        %dma_wait3A_431 = arith.constant 0 : i32
        %dma_wait3A_432 = tpu.memref_slice %arg4[%mul3A_424, %dma_wait3A_431] : memref<819200x128xf32, #tpu.memory_space<hbm>> -> memref<256x128xf32, #tpu.memory_space<hbm>>
        %dma_wait3A_433 = tpu.memref_slice %arg8[%dma_wait3A_426] : memref<3x!tpu.dma_semaphore, #tpu.memory_space<semaphore_mem>> -> memref<1x!tpu.dma_semaphore, #tpu.memory_space<semaphore_mem>>
        %dma_wait3A_434 = tpu.memref_squeeze %dma_wait3A_433 : memref<1x!tpu.dma_semaphore, #tpu.memory_space<semaphore_mem>> -> memref<!tpu.dma_semaphore, #tpu.memory_space<semaphore_mem>>
        %dma_wait3A_435 = arith.constant 0 : i32
        %dma_wait3A_436 = tpu.memref_slice %arg4[%mul3A_424, %dma_wait3A_435] : memref<819200x128xf32, #tpu.memory_space<hbm>> -> memref<256x128xf32, #tpu.memory_space<hbm>>
        %dma_wait3A_437 = arith.constant 0 : i32
        %dma_wait3A_438 = arith.constant 0 : i32
        %dma_wait3A_439 = tpu.memref_slice %arg6[%dma_wait3A_425, %dma_wait3A_437, %dma_wait3A_438] : memref<3x256x128xf32, #tpu.memory_space<vmem>> -> memref<1x256x128xf32, #tpu.memory_space<vmem>>
        %dma_wait3A_440 = tpu.memref_squeeze %dma_wait3A_439 : memref<1x256x128xf32, #tpu.memory_space<vmem>> -> memref<256x128xf32, #tpu.memory_space<vmem>>
        tpu.wait_dma2 semaphore(%dma_wait3A_434 : memref<!tpu.dma_semaphore, #tpu.memory_space<semaphore_mem>>) src(%dma_wait3A_440 : memref<256x128xf32, #tpu.memory_space<vmem>>) dst(%dma_wait3A_436 : memref<256x128xf32, #tpu.memory_space<hbm>>)
        %mul3A_441 = arith.constant 2 : i32
        %mul3A_442 = arith.muli %add3A_398, %mul3A_441 : i32
        %add3A_443 = arith.constant 0 : i32
        %add3A_444 = arith.addi %mul3A_442, %add3A_443 : i32
        %dma_start3A_445 = arith.constant 0 : i32
        %dma_start3A_446 = arith.constant 0 : i32
        %dma_start3A_447 = arith.constant 0 : i32
        %dma_start3A_448 = arith.constant 0 : i32
        %dma_start3A_449 = tpu.memref_slice %arg6[%dma_start3A_445, %dma_start3A_447, %dma_start3A_448] : memref<3x256x128xf32, #tpu.memory_space<vmem>> -> memref<1x128x128xf32, #tpu.memory_space<vmem>>
        %dma_start3A_450 = tpu.memref_squeeze %dma_start3A_449 : memref<1x128x128xf32, #tpu.memory_space<vmem>> -> memref<128x128xf32, #tpu.memory_space<vmem>>
        %dma_start3A_451 = arith.constant 0 : i32
        %dma_start3A_452 = tpu.memref_slice %arg5[%add3A_444, %dma_start3A_451] : memref<200x128xi32, #tpu.memory_space<vmem>> -> memref<1x128xi32, #tpu.memory_space<vmem>>
        %dma_start3A_453 = tpu.memref_squeeze %dma_start3A_452 : memref<1x128xi32, #tpu.memory_space<vmem>> -> memref<128xi32, #tpu.memory_space<vmem>>
        %dma_start3A_454 = arith.constant 0 : i32
        %dma_start3A_455 = arith.constant 0 : i32
        %dma_start3A_456 = tpu.memref_slice %arg3[%dma_start3A_454, %dma_start3A_455] : memref<100000x128xf32, #tpu.memory_space<hbm>> -> memref<100000x128xf32, #tpu.memory_space<hbm>>
        %dma_start3A_457 = tpu.memref_slice %arg7[%dma_start3A_446] : memref<3x!tpu.dma_semaphore, #tpu.memory_space<semaphore_mem>> -> memref<1x!tpu.dma_semaphore, #tpu.memory_space<semaphore_mem>>
        %dma_start3A_458 = tpu.memref_squeeze %dma_start3A_457 : memref<1x!tpu.dma_semaphore, #tpu.memory_space<semaphore_mem>> -> memref<!tpu.dma_semaphore, #tpu.memory_space<semaphore_mem>>
        tpu.enqueue_indirect_dma source(%dma_start3A_456 : memref<100000x128xf32, #tpu.memory_space<hbm>>) target(%dma_start3A_450 : memref<128x128xf32, #tpu.memory_space<vmem>>) offsets(%dma_start3A_453 : memref<128xi32, #tpu.memory_space<vmem>>) semaphore(%dma_start3A_458 : memref<!tpu.dma_semaphore, #tpu.memory_space<semaphore_mem>>)
        %mul3A_459 = arith.constant 2 : i32
        %mul3A_460 = arith.muli %add3A_398, %mul3A_459 : i32
        %add3A_461 = arith.constant 1 : i32
        %add3A_462 = arith.addi %mul3A_460, %add3A_461 : i32
        %dma_start3A_463 = arith.constant 0 : i32
        %dma_start3A_464 = arith.constant 0 : i32
        %dma_start3A_465 = arith.constant 128 : i32
        %dma_start3A_466 = arith.constant 0 : i32
        %dma_start3A_467 = tpu.memref_slice %arg6[%dma_start3A_463, %dma_start3A_465, %dma_start3A_466] : memref<3x256x128xf32, #tpu.memory_space<vmem>> -> memref<1x128x128xf32, #tpu.memory_space<vmem>>
        %dma_start3A_468 = tpu.memref_squeeze %dma_start3A_467 : memref<1x128x128xf32, #tpu.memory_space<vmem>> -> memref<128x128xf32, #tpu.memory_space<vmem>>
        %dma_start3A_469 = arith.constant 0 : i32
        %dma_start3A_470 = tpu.memref_slice %arg5[%add3A_462, %dma_start3A_469] : memref<200x128xi32, #tpu.memory_space<vmem>> -> memref<1x128xi32, #tpu.memory_space<vmem>>
        %dma_start3A_471 = tpu.memref_squeeze %dma_start3A_470 : memref<1x128xi32, #tpu.memory_space<vmem>> -> memref<128xi32, #tpu.memory_space<vmem>>
        %dma_start3A_472 = arith.constant 0 : i32
        %dma_start3A_473 = arith.constant 0 : i32
        %dma_start3A_474 = tpu.memref_slice %arg3[%dma_start3A_472, %dma_start3A_473] : memref<100000x128xf32, #tpu.memory_space<hbm>> -> memref<100000x128xf32, #tpu.memory_space<hbm>>
        %dma_start3A_475 = tpu.memref_slice %arg7[%dma_start3A_464] : memref<3x!tpu.dma_semaphore, #tpu.memory_space<semaphore_mem>> -> memref<1x!tpu.dma_semaphore, #tpu.memory_space<semaphore_mem>>
        %dma_start3A_476 = tpu.memref_squeeze %dma_start3A_475 : memref<1x!tpu.dma_semaphore, #tpu.memory_space<semaphore_mem>> -> memref<!tpu.dma_semaphore, #tpu.memory_space<semaphore_mem>>
        tpu.enqueue_indirect_dma source(%dma_start3A_474 : memref<100000x128xf32, #tpu.memory_space<hbm>>) target(%dma_start3A_468 : memref<128x128xf32, #tpu.memory_space<vmem>>) offsets(%dma_start3A_471 : memref<128xi32, #tpu.memory_space<vmem>>) semaphore(%dma_start3A_476 : memref<!tpu.dma_semaphore, #tpu.memory_space<semaphore_mem>>)
      } else {
      }
      %add3A_401 = arith.constant 3 : i32
      %add3A_402 = arith.addi %mul3A_211, %add3A_401 : i32
      %add3A_403 = arith.constant 1 : i32
      %add3A_404 = arith.addi %add3A_402, %add3A_403 : i32
      %lt3A_405 = arith.constant 100 : i32
      %lt3A_406 = arith.cmpi slt, %add3A_404, %lt3A_405 : i32
      %convert_element_type3A_407 = arith.extui %lt3A_406 : i1 to i32
      %cond3A_408 = arith.constant 0 : i32
      %cond3A_409 = arith.cmpi ne, %convert_element_type3A_407, %cond3A_408 : i32
      scf.if %cond3A_409 {
        %sub3A = arith.constant 3 : i32
        %sub3A_419 = arith.subi %add3A_404, %sub3A : i32
        %mul3A_420 = arith.constant 2 : i32
        %mul3A_421 = arith.muli %sub3A_419, %mul3A_420 : i32
        %add3A_422 = arith.addi %mul3A_2, %mul3A_421 : i32
        %mul3A_423 = arith.constant 128 : i32
        %mul3A_424 = arith.muli %add3A_422, %mul3A_423 : i32
        %dma_wait3A_425 = arith.constant 1 : i32
        %dma_wait3A_426 = arith.constant 1 : i32
        %dma_wait3A_427 = arith.constant 0 : i32
        %dma_wait3A_428 = arith.constant 0 : i32
        %dma_wait3A_429 = tpu.memref_slice %arg6[%dma_wait3A_425, %dma_wait3A_427, %dma_wait3A_428] : memref<3x256x128xf32, #tpu.memory_space<vmem>> -> memref<1x256x128xf32, #tpu.memory_space<vmem>>
        %dma_wait3A_430 = tpu.memref_squeeze %dma_wait3A_429 : memref<1x256x128xf32, #tpu.memory_space<vmem>> -> memref<256x128xf32, #tpu.memory_space<vmem>>
        %dma_wait3A_431 = arith.constant 0 : i32
        %dma_wait3A_432 = tpu.memref_slice %arg4[%mul3A_424, %dma_wait3A_431] : memref<819200x128xf32, #tpu.memory_space<hbm>> -> memref<256x128xf32, #tpu.memory_space<hbm>>
        %dma_wait3A_433 = tpu.memref_slice %arg8[%dma_wait3A_426] : memref<3x!tpu.dma_semaphore, #tpu.memory_space<semaphore_mem>> -> memref<1x!tpu.dma_semaphore, #tpu.memory_space<semaphore_mem>>
        %dma_wait3A_434 = tpu.memref_squeeze %dma_wait3A_433 : memref<1x!tpu.dma_semaphore, #tpu.memory_space<semaphore_mem>> -> memref<!tpu.dma_semaphore, #tpu.memory_space<semaphore_mem>>
        %dma_wait3A_435 = arith.constant 0 : i32
        %dma_wait3A_436 = tpu.memref_slice %arg4[%mul3A_424, %dma_wait3A_435] : memref<819200x128xf32, #tpu.memory_space<hbm>> -> memref<256x128xf32, #tpu.memory_space<hbm>>
        %dma_wait3A_437 = arith.constant 0 : i32
        %dma_wait3A_438 = arith.constant 0 : i32
        %dma_wait3A_439 = tpu.memref_slice %arg6[%dma_wait3A_425, %dma_wait3A_437, %dma_wait3A_438] : memref<3x256x128xf32, #tpu.memory_space<vmem>> -> memref<1x256x128xf32, #tpu.memory_space<vmem>>
        %dma_wait3A_440 = tpu.memref_squeeze %dma_wait3A_439 : memref<1x256x128xf32, #tpu.memory_space<vmem>> -> memref<256x128xf32, #tpu.memory_space<vmem>>
        tpu.wait_dma2 semaphore(%dma_wait3A_434 : memref<!tpu.dma_semaphore, #tpu.memory_space<semaphore_mem>>) src(%dma_wait3A_440 : memref<256x128xf32, #tpu.memory_space<vmem>>) dst(%dma_wait3A_436 : memref<256x128xf32, #tpu.memory_space<hbm>>)
        %mul3A_441 = arith.constant 2 : i32
        %mul3A_442 = arith.muli %add3A_404, %mul3A_441 : i32
        %add3A_443 = arith.constant 0 : i32
        %add3A_444 = arith.addi %mul3A_442, %add3A_443 : i32
        %dma_start3A_445 = arith.constant 1 : i32
        %dma_start3A_446 = arith.constant 1 : i32
        %dma_start3A_447 = arith.constant 0 : i32
        %dma_start3A_448 = arith.constant 0 : i32
        %dma_start3A_449 = tpu.memref_slice %arg6[%dma_start3A_445, %dma_start3A_447, %dma_start3A_448] : memref<3x256x128xf32, #tpu.memory_space<vmem>> -> memref<1x128x128xf32, #tpu.memory_space<vmem>>
        %dma_start3A_450 = tpu.memref_squeeze %dma_start3A_449 : memref<1x128x128xf32, #tpu.memory_space<vmem>> -> memref<128x128xf32, #tpu.memory_space<vmem>>
        %dma_start3A_451 = arith.constant 0 : i32
        %dma_start3A_452 = tpu.memref_slice %arg5[%add3A_444, %dma_start3A_451] : memref<200x128xi32, #tpu.memory_space<vmem>> -> memref<1x128xi32, #tpu.memory_space<vmem>>
        %dma_start3A_453 = tpu.memref_squeeze %dma_start3A_452 : memref<1x128xi32, #tpu.memory_space<vmem>> -> memref<128xi32, #tpu.memory_space<vmem>>
        %dma_start3A_454 = arith.constant 0 : i32
        %dma_start3A_455 = arith.constant 0 : i32
        %dma_start3A_456 = tpu.memref_slice %arg3[%dma_start3A_454, %dma_start3A_455] : memref<100000x128xf32, #tpu.memory_space<hbm>> -> memref<100000x128xf32, #tpu.memory_space<hbm>>
        %dma_start3A_457 = tpu.memref_slice %arg7[%dma_start3A_446] : memref<3x!tpu.dma_semaphore, #tpu.memory_space<semaphore_mem>> -> memref<1x!tpu.dma_semaphore, #tpu.memory_space<semaphore_mem>>
        %dma_start3A_458 = tpu.memref_squeeze %dma_start3A_457 : memref<1x!tpu.dma_semaphore, #tpu.memory_space<semaphore_mem>> -> memref<!tpu.dma_semaphore, #tpu.memory_space<semaphore_mem>>
        tpu.enqueue_indirect_dma source(%dma_start3A_456 : memref<100000x128xf32, #tpu.memory_space<hbm>>) target(%dma_start3A_450 : memref<128x128xf32, #tpu.memory_space<vmem>>) offsets(%dma_start3A_453 : memref<128xi32, #tpu.memory_space<vmem>>) semaphore(%dma_start3A_458 : memref<!tpu.dma_semaphore, #tpu.memory_space<semaphore_mem>>)
        %mul3A_459 = arith.constant 2 : i32
        %mul3A_460 = arith.muli %add3A_404, %mul3A_459 : i32
        %add3A_461 = arith.constant 1 : i32
        %add3A_462 = arith.addi %mul3A_460, %add3A_461 : i32
        %dma_start3A_463 = arith.constant 1 : i32
        %dma_start3A_464 = arith.constant 1 : i32
        %dma_start3A_465 = arith.constant 128 : i32
        %dma_start3A_466 = arith.constant 0 : i32
        %dma_start3A_467 = tpu.memref_slice %arg6[%dma_start3A_463, %dma_start3A_465, %dma_start3A_466] : memref<3x256x128xf32, #tpu.memory_space<vmem>> -> memref<1x128x128xf32, #tpu.memory_space<vmem>>
        %dma_start3A_468 = tpu.memref_squeeze %dma_start3A_467 : memref<1x128x128xf32, #tpu.memory_space<vmem>> -> memref<128x128xf32, #tpu.memory_space<vmem>>
        %dma_start3A_469 = arith.constant 0 : i32
        %dma_start3A_470 = tpu.memref_slice %arg5[%add3A_462, %dma_start3A_469] : memref<200x128xi32, #tpu.memory_space<vmem>> -> memref<1x128xi32, #tpu.memory_space<vmem>>
        %dma_start3A_471 = tpu.memref_squeeze %dma_start3A_470 : memref<1x128xi32, #tpu.memory_space<vmem>> -> memref<128xi32, #tpu.memory_space<vmem>>
        %dma_start3A_472 = arith.constant 0 : i32
        %dma_start3A_473 = arith.constant 0 : i32
        %dma_start3A_474 = tpu.memref_slice %arg3[%dma_start3A_472, %dma_start3A_473] : memref<100000x128xf32, #tpu.memory_space<hbm>> -> memref<100000x128xf32, #tpu.memory_space<hbm>>
        %dma_start3A_475 = tpu.memref_slice %arg7[%dma_start3A_464] : memref<3x!tpu.dma_semaphore, #tpu.memory_space<semaphore_mem>> -> memref<1x!tpu.dma_semaphore, #tpu.memory_space<semaphore_mem>>
        %dma_start3A_476 = tpu.memref_squeeze %dma_start3A_475 : memref<1x!tpu.dma_semaphore, #tpu.memory_space<semaphore_mem>> -> memref<!tpu.dma_semaphore, #tpu.memory_space<semaphore_mem>>
        tpu.enqueue_indirect_dma source(%dma_start3A_474 : memref<100000x128xf32, #tpu.memory_space<hbm>>) target(%dma_start3A_468 : memref<128x128xf32, #tpu.memory_space<vmem>>) offsets(%dma_start3A_471 : memref<128xi32, #tpu.memory_space<vmem>>) semaphore(%dma_start3A_476 : memref<!tpu.dma_semaphore, #tpu.memory_space<semaphore_mem>>)
      } else {
      }
      %add3A_410 = arith.constant 3 : i32
      %add3A_411 = arith.addi %mul3A_211, %add3A_410 : i32
      %add3A_412 = arith.constant 2 : i32
      %add3A_413 = arith.addi %add3A_411, %add3A_412 : i32
      %lt3A_414 = arith.constant 100 : i32
      %lt3A_415 = arith.cmpi slt, %add3A_413, %lt3A_414 : i32
      %convert_element_type3A_416 = arith.extui %lt3A_415 : i1 to i32
      %cond3A_417 = arith.constant 0 : i32
      %cond3A_418 = arith.cmpi ne, %convert_element_type3A_416, %cond3A_417 : i32
      scf.if %cond3A_418 {
        %sub3A = arith.constant 3 : i32
        %sub3A_419 = arith.subi %add3A_413, %sub3A : i32
        %mul3A_420 = arith.constant 2 : i32
        %mul3A_421 = arith.muli %sub3A_419, %mul3A_420 : i32
        %add3A_422 = arith.addi %mul3A_2, %mul3A_421 : i32
        %mul3A_423 = arith.constant 128 : i32
        %mul3A_424 = arith.muli %add3A_422, %mul3A_423 : i32
        %dma_wait3A_425 = arith.constant 2 : i32
        %dma_wait3A_426 = arith.constant 2 : i32
        %dma_wait3A_427 = arith.constant 0 : i32
        %dma_wait3A_428 = arith.constant 0 : i32
        %dma_wait3A_429 = tpu.memref_slice %arg6[%dma_wait3A_425, %dma_wait3A_427, %dma_wait3A_428] : memref<3x256x128xf32, #tpu.memory_space<vmem>> -> memref<1x256x128xf32, #tpu.memory_space<vmem>>
        %dma_wait3A_430 = tpu.memref_squeeze %dma_wait3A_429 : memref<1x256x128xf32, #tpu.memory_space<vmem>> -> memref<256x128xf32, #tpu.memory_space<vmem>>
        %dma_wait3A_431 = arith.constant 0 : i32
        %dma_wait3A_432 = tpu.memref_slice %arg4[%mul3A_424, %dma_wait3A_431] : memref<819200x128xf32, #tpu.memory_space<hbm>> -> memref<256x128xf32, #tpu.memory_space<hbm>>
        %dma_wait3A_433 = tpu.memref_slice %arg8[%dma_wait3A_426] : memref<3x!tpu.dma_semaphore, #tpu.memory_space<semaphore_mem>> -> memref<1x!tpu.dma_semaphore, #tpu.memory_space<semaphore_mem>>
        %dma_wait3A_434 = tpu.memref_squeeze %dma_wait3A_433 : memref<1x!tpu.dma_semaphore, #tpu.memory_space<semaphore_mem>> -> memref<!tpu.dma_semaphore, #tpu.memory_space<semaphore_mem>>
        %dma_wait3A_435 = arith.constant 0 : i32
        %dma_wait3A_436 = tpu.memref_slice %arg4[%mul3A_424, %dma_wait3A_435] : memref<819200x128xf32, #tpu.memory_space<hbm>> -> memref<256x128xf32, #tpu.memory_space<hbm>>
        %dma_wait3A_437 = arith.constant 0 : i32
        %dma_wait3A_438 = arith.constant 0 : i32
        %dma_wait3A_439 = tpu.memref_slice %arg6[%dma_wait3A_425, %dma_wait3A_437, %dma_wait3A_438] : memref<3x256x128xf32, #tpu.memory_space<vmem>> -> memref<1x256x128xf32, #tpu.memory_space<vmem>>
        %dma_wait3A_440 = tpu.memref_squeeze %dma_wait3A_439 : memref<1x256x128xf32, #tpu.memory_space<vmem>> -> memref<256x128xf32, #tpu.memory_space<vmem>>
        tpu.wait_dma2 semaphore(%dma_wait3A_434 : memref<!tpu.dma_semaphore, #tpu.memory_space<semaphore_mem>>) src(%dma_wait3A_440 : memref<256x128xf32, #tpu.memory_space<vmem>>) dst(%dma_wait3A_436 : memref<256x128xf32, #tpu.memory_space<hbm>>)
        %mul3A_441 = arith.constant 2 : i32
        %mul3A_442 = arith.muli %add3A_413, %mul3A_441 : i32
        %add3A_443 = arith.constant 0 : i32
        %add3A_444 = arith.addi %mul3A_442, %add3A_443 : i32
        %dma_start3A_445 = arith.constant 2 : i32
        %dma_start3A_446 = arith.constant 2 : i32
        %dma_start3A_447 = arith.constant 0 : i32
        %dma_start3A_448 = arith.constant 0 : i32
        %dma_start3A_449 = tpu.memref_slice %arg6[%dma_start3A_445, %dma_start3A_447, %dma_start3A_448] : memref<3x256x128xf32, #tpu.memory_space<vmem>> -> memref<1x128x128xf32, #tpu.memory_space<vmem>>
        %dma_start3A_450 = tpu.memref_squeeze %dma_start3A_449 : memref<1x128x128xf32, #tpu.memory_space<vmem>> -> memref<128x128xf32, #tpu.memory_space<vmem>>
        %dma_start3A_451 = arith.constant 0 : i32
        %dma_start3A_452 = tpu.memref_slice %arg5[%add3A_444, %dma_start3A_451] : memref<200x128xi32, #tpu.memory_space<vmem>> -> memref<1x128xi32, #tpu.memory_space<vmem>>
        %dma_start3A_453 = tpu.memref_squeeze %dma_start3A_452 : memref<1x128xi32, #tpu.memory_space<vmem>> -> memref<128xi32, #tpu.memory_space<vmem>>
        %dma_start3A_454 = arith.constant 0 : i32
        %dma_start3A_455 = arith.constant 0 : i32
        %dma_start3A_456 = tpu.memref_slice %arg3[%dma_start3A_454, %dma_start3A_455] : memref<100000x128xf32, #tpu.memory_space<hbm>> -> memref<100000x128xf32, #tpu.memory_space<hbm>>
        %dma_start3A_457 = tpu.memref_slice %arg7[%dma_start3A_446] : memref<3x!tpu.dma_semaphore, #tpu.memory_space<semaphore_mem>> -> memref<1x!tpu.dma_semaphore, #tpu.memory_space<semaphore_mem>>
        %dma_start3A_458 = tpu.memref_squeeze %dma_start3A_457 : memref<1x!tpu.dma_semaphore, #tpu.memory_space<semaphore_mem>> -> memref<!tpu.dma_semaphore, #tpu.memory_space<semaphore_mem>>
        tpu.enqueue_indirect_dma source(%dma_start3A_456 : memref<100000x128xf32, #tpu.memory_space<hbm>>) target(%dma_start3A_450 : memref<128x128xf32, #tpu.memory_space<vmem>>) offsets(%dma_start3A_453 : memref<128xi32, #tpu.memory_space<vmem>>) semaphore(%dma_start3A_458 : memref<!tpu.dma_semaphore, #tpu.memory_space<semaphore_mem>>)
        %mul3A_459 = arith.constant 2 : i32
        %mul3A_460 = arith.muli %add3A_413, %mul3A_459 : i32
        %add3A_461 = arith.constant 1 : i32
        %add3A_462 = arith.addi %mul3A_460, %add3A_461 : i32
        %dma_start3A_463 = arith.constant 2 : i32
        %dma_start3A_464 = arith.constant 2 : i32
        %dma_start3A_465 = arith.constant 128 : i32
        %dma_start3A_466 = arith.constant 0 : i32
        %dma_start3A_467 = tpu.memref_slice %arg6[%dma_start3A_463, %dma_start3A_465, %dma_start3A_466] : memref<3x256x128xf32, #tpu.memory_space<vmem>> -> memref<1x128x128xf32, #tpu.memory_space<vmem>>
        %dma_start3A_468 = tpu.memref_squeeze %dma_start3A_467 : memref<1x128x128xf32, #tpu.memory_space<vmem>> -> memref<128x128xf32, #tpu.memory_space<vmem>>
        %dma_start3A_469 = arith.constant 0 : i32
        %dma_start3A_470 = tpu.memref_slice %arg5[%add3A_462, %dma_start3A_469] : memref<200x128xi32, #tpu.memory_space<vmem>> -> memref<1x128xi32, #tpu.memory_space<vmem>>
        %dma_start3A_471 = tpu.memref_squeeze %dma_start3A_470 : memref<1x128xi32, #tpu.memory_space<vmem>> -> memref<128xi32, #tpu.memory_space<vmem>>
        %dma_start3A_472 = arith.constant 0 : i32
        %dma_start3A_473 = arith.constant 0 : i32
        %dma_start3A_474 = tpu.memref_slice %arg3[%dma_start3A_472, %dma_start3A_473] : memref<100000x128xf32, #tpu.memory_space<hbm>> -> memref<100000x128xf32, #tpu.memory_space<hbm>>
        %dma_start3A_475 = tpu.memref_slice %arg7[%dma_start3A_464] : memref<3x!tpu.dma_semaphore, #tpu.memory_space<semaphore_mem>> -> memref<1x!tpu.dma_semaphore, #tpu.memory_space<semaphore_mem>>
        %dma_start3A_476 = tpu.memref_squeeze %dma_start3A_475 : memref<1x!tpu.dma_semaphore, #tpu.memory_space<semaphore_mem>> -> memref<!tpu.dma_semaphore, #tpu.memory_space<semaphore_mem>>
        tpu.enqueue_indirect_dma source(%dma_start3A_474 : memref<100000x128xf32, #tpu.memory_space<hbm>>) target(%dma_start3A_468 : memref<128x128xf32, #tpu.memory_space<vmem>>) offsets(%dma_start3A_471 : memref<128xi32, #tpu.memory_space<vmem>>) semaphore(%dma_start3A_476 : memref<!tpu.dma_semaphore, #tpu.memory_space<semaphore_mem>>)
      } else {
      }
    }
    %scan3A_95 = arith.constant 33 : i32
    %dma_wait3A = arith.constant 198 : i32
    %dma_wait3A_96 = arith.constant 0 : i32
    %dma_wait3A_97 = arith.constant 0 : i32
    %dma_wait3A_98 = arith.constant 0 : i32
    %dma_wait3A_99 = arith.constant 0 : i32
    %dma_wait3A_100 = tpu.memref_slice %arg6[%dma_wait3A_96, %dma_wait3A_98, %dma_wait3A_99] : memref<3x256x128xf32, #tpu.memory_space<vmem>> -> memref<1x128x128xf32, #tpu.memory_space<vmem>>
    %dma_wait3A_101 = tpu.memref_squeeze %dma_wait3A_100 : memref<1x128x128xf32, #tpu.memory_space<vmem>> -> memref<128x128xf32, #tpu.memory_space<vmem>>
    %dma_wait3A_102 = arith.constant 0 : i32
    %dma_wait3A_103 = tpu.memref_slice %arg5[%dma_wait3A, %dma_wait3A_102] : memref<200x128xi32, #tpu.memory_space<vmem>> -> memref<1x128xi32, #tpu.memory_space<vmem>>
    %dma_wait3A_104 = tpu.memref_squeeze %dma_wait3A_103 : memref<1x128xi32, #tpu.memory_space<vmem>> -> memref<128xi32, #tpu.memory_space<vmem>>
    %dma_wait3A_105 = arith.constant 0 : i32
    %dma_wait3A_106 = arith.constant 0 : i32
    %dma_wait3A_107 = tpu.memref_slice %arg3[%dma_wait3A_105, %dma_wait3A_106] : memref<100000x128xf32, #tpu.memory_space<hbm>> -> memref<100000x128xf32, #tpu.memory_space<hbm>>
    %dma_wait3A_108 = tpu.memref_slice %arg7[%dma_wait3A_97] : memref<3x!tpu.dma_semaphore, #tpu.memory_space<semaphore_mem>> -> memref<1x!tpu.dma_semaphore, #tpu.memory_space<semaphore_mem>>
    %dma_wait3A_109 = tpu.memref_squeeze %dma_wait3A_108 : memref<1x!tpu.dma_semaphore, #tpu.memory_space<semaphore_mem>> -> memref<!tpu.dma_semaphore, #tpu.memory_space<semaphore_mem>>
    tpu.wait_indirect_dma semaphore(%dma_wait3A_109 : memref<!tpu.dma_semaphore, #tpu.memory_space<semaphore_mem>>) src(%dma_wait3A_107 : memref<100000x128xf32, #tpu.memory_space<hbm>>) dst(%dma_wait3A_101 : memref<128x128xf32, #tpu.memory_space<vmem>>)
    %dma_wait3A_110 = arith.constant 199 : i32
    %dma_wait3A_111 = arith.constant 0 : i32
    %dma_wait3A_112 = arith.constant 0 : i32
    %dma_wait3A_113 = arith.constant 128 : i32
    %dma_wait3A_114 = arith.constant 0 : i32
    %dma_wait3A_115 = tpu.memref_slice %arg6[%dma_wait3A_111, %dma_wait3A_113, %dma_wait3A_114] : memref<3x256x128xf32, #tpu.memory_space<vmem>> -> memref<1x128x128xf32, #tpu.memory_space<vmem>>
    %dma_wait3A_116 = tpu.memref_squeeze %dma_wait3A_115 : memref<1x128x128xf32, #tpu.memory_space<vmem>> -> memref<128x128xf32, #tpu.memory_space<vmem>>
    %dma_wait3A_117 = arith.constant 0 : i32
    %dma_wait3A_118 = tpu.memref_slice %arg5[%dma_wait3A_110, %dma_wait3A_117] : memref<200x128xi32, #tpu.memory_space<vmem>> -> memref<1x128xi32, #tpu.memory_space<vmem>>
    %dma_wait3A_119 = tpu.memref_squeeze %dma_wait3A_118 : memref<1x128xi32, #tpu.memory_space<vmem>> -> memref<128xi32, #tpu.memory_space<vmem>>
    %dma_wait3A_120 = arith.constant 0 : i32
    %dma_wait3A_121 = arith.constant 0 : i32
    %dma_wait3A_122 = tpu.memref_slice %arg3[%dma_wait3A_120, %dma_wait3A_121] : memref<100000x128xf32, #tpu.memory_space<hbm>> -> memref<100000x128xf32, #tpu.memory_space<hbm>>
    %dma_wait3A_123 = tpu.memref_slice %arg7[%dma_wait3A_112] : memref<3x!tpu.dma_semaphore, #tpu.memory_space<semaphore_mem>> -> memref<1x!tpu.dma_semaphore, #tpu.memory_space<semaphore_mem>>
    %dma_wait3A_124 = tpu.memref_squeeze %dma_wait3A_123 : memref<1x!tpu.dma_semaphore, #tpu.memory_space<semaphore_mem>> -> memref<!tpu.dma_semaphore, #tpu.memory_space<semaphore_mem>>
    tpu.wait_indirect_dma semaphore(%dma_wait3A_124 : memref<!tpu.dma_semaphore, #tpu.memory_space<semaphore_mem>>) src(%dma_wait3A_122 : memref<100000x128xf32, #tpu.memory_space<hbm>>) dst(%dma_wait3A_116 : memref<128x128xf32, #tpu.memory_space<vmem>>)
    %add3A_125 = arith.constant 198 : i32
    %add3A_126 = arith.addi %mul3A_2, %add3A_125 : i32
    %mul3A_127 = arith.constant 128 : i32
    %mul3A_128 = arith.muli %add3A_126, %mul3A_127 : i32
    %dma_start3A_129 = arith.constant 0 : i32
    %dma_start3A_130 = arith.constant 0 : i32
    %dma_start3A_131 = arith.constant 0 : i32
    %dma_start3A_132 = arith.constant 0 : i32
    %dma_start3A_133 = tpu.memref_slice %arg6[%dma_start3A_129, %dma_start3A_131, %dma_start3A_132] : memref<3x256x128xf32, #tpu.memory_space<vmem>> -> memref<1x256x128xf32, #tpu.memory_space<vmem>>
    %dma_start3A_134 = tpu.memref_squeeze %dma_start3A_133 : memref<1x256x128xf32, #tpu.memory_space<vmem>> -> memref<256x128xf32, #tpu.memory_space<vmem>>
    %dma_start3A_135 = arith.constant 0 : i32
    %dma_start3A_136 = tpu.memref_slice %arg4[%mul3A_128, %dma_start3A_135] : memref<819200x128xf32, #tpu.memory_space<hbm>> -> memref<256x128xf32, #tpu.memory_space<hbm>>
    %dma_start3A_137 = tpu.memref_slice %arg8[%dma_start3A_130] : memref<3x!tpu.dma_semaphore, #tpu.memory_space<semaphore_mem>> -> memref<1x!tpu.dma_semaphore, #tpu.memory_space<semaphore_mem>>
    %dma_start3A_138 = tpu.memref_squeeze %dma_start3A_137 : memref<1x!tpu.dma_semaphore, #tpu.memory_space<semaphore_mem>> -> memref<!tpu.dma_semaphore, #tpu.memory_space<semaphore_mem>>
    %dma_start3A_139 = arith.constant 0 : i32
    %dma_start3A_140 = tpu.memref_slice %arg4[%mul3A_128, %dma_start3A_139] : memref<819200x128xf32, #tpu.memory_space<hbm>> -> memref<256x128xf32, #tpu.memory_space<hbm>>
    %dma_start3A_141 = arith.constant 0 : i32
    %dma_start3A_142 = arith.constant 0 : i32
    %dma_start3A_143 = tpu.memref_slice %arg6[%dma_start3A_129, %dma_start3A_141, %dma_start3A_142] : memref<3x256x128xf32, #tpu.memory_space<vmem>> -> memref<1x256x128xf32, #tpu.memory_space<vmem>>
    %dma_start3A_144 = tpu.memref_squeeze %dma_start3A_143 : memref<1x256x128xf32, #tpu.memory_space<vmem>> -> memref<256x128xf32, #tpu.memory_space<vmem>>
    tpu.enqueue_dma source(%dma_start3A_144 : memref<256x128xf32, #tpu.memory_space<vmem>>) target(%dma_start3A_140 : memref<256x128xf32, #tpu.memory_space<hbm>>) target_semaphore(%dma_start3A_138 : memref<!tpu.dma_semaphore, #tpu.memory_space<semaphore_mem>>)
    %add3A_145 = arith.constant 198 : i32
    %add3A_146 = arith.addi %mul3A_2, %add3A_145 : i32
    %mul3A_147 = arith.constant 128 : i32
    %mul3A_148 = arith.muli %add3A_146, %mul3A_147 : i32
    %dma_wait3A_149 = arith.constant 0 : i32
    %dma_wait3A_150 = arith.constant 0 : i32
    %dma_wait3A_151 = arith.constant 0 : i32
    %dma_wait3A_152 = arith.constant 0 : i32
    %dma_wait3A_153 = tpu.memref_slice %arg6[%dma_wait3A_149, %dma_wait3A_151, %dma_wait3A_152] : memref<3x256x128xf32, #tpu.memory_space<vmem>> -> memref<1x256x128xf32, #tpu.memory_space<vmem>>
    %dma_wait3A_154 = tpu.memref_squeeze %dma_wait3A_153 : memref<1x256x128xf32, #tpu.memory_space<vmem>> -> memref<256x128xf32, #tpu.memory_space<vmem>>
    %dma_wait3A_155 = arith.constant 0 : i32
    %dma_wait3A_156 = tpu.memref_slice %arg4[%mul3A_148, %dma_wait3A_155] : memref<819200x128xf32, #tpu.memory_space<hbm>> -> memref<256x128xf32, #tpu.memory_space<hbm>>
    %dma_wait3A_157 = tpu.memref_slice %arg8[%dma_wait3A_150] : memref<3x!tpu.dma_semaphore, #tpu.memory_space<semaphore_mem>> -> memref<1x!tpu.dma_semaphore, #tpu.memory_space<semaphore_mem>>
    %dma_wait3A_158 = tpu.memref_squeeze %dma_wait3A_157 : memref<1x!tpu.dma_semaphore, #tpu.memory_space<semaphore_mem>> -> memref<!tpu.dma_semaphore, #tpu.memory_space<semaphore_mem>>
    %dma_wait3A_159 = arith.constant 0 : i32
    %dma_wait3A_160 = tpu.memref_slice %arg4[%mul3A_148, %dma_wait3A_159] : memref<819200x128xf32, #tpu.memory_space<hbm>> -> memref<256x128xf32, #tpu.memory_space<hbm>>
    %dma_wait3A_161 = arith.constant 0 : i32
    %dma_wait3A_162 = arith.constant 0 : i32
    %dma_wait3A_163 = tpu.memref_slice %arg6[%dma_wait3A_149, %dma_wait3A_161, %dma_wait3A_162] : memref<3x256x128xf32, #tpu.memory_space<vmem>> -> memref<1x256x128xf32, #tpu.memory_space<vmem>>
    %dma_wait3A_164 = tpu.memref_squeeze %dma_wait3A_163 : memref<1x256x128xf32, #tpu.memory_space<vmem>> -> memref<256x128xf32, #tpu.memory_space<vmem>>
    tpu.wait_dma2 semaphore(%dma_wait3A_158 : memref<!tpu.dma_semaphore, #tpu.memory_space<semaphore_mem>>) src(%dma_wait3A_164 : memref<256x128xf32, #tpu.memory_space<vmem>>) dst(%dma_wait3A_160 : memref<256x128xf32, #tpu.memory_space<hbm>>)
    %add3A_165 = arith.constant 194 : i32
    %add3A_166 = arith.addi %mul3A_2, %add3A_165 : i32
    %mul3A_167 = arith.constant 128 : i32
    %mul3A_168 = arith.muli %add3A_166, %mul3A_167 : i32
    %dma_wait3A_169 = arith.constant 1 : i32
    %dma_wait3A_170 = arith.constant 1 : i32
    %dma_wait3A_171 = arith.constant 0 : i32
    %dma_wait3A_172 = arith.constant 0 : i32
    %dma_wait3A_173 = tpu.memref_slice %arg6[%dma_wait3A_169, %dma_wait3A_171, %dma_wait3A_172] : memref<3x256x128xf32, #tpu.memory_space<vmem>> -> memref<1x256x128xf32, #tpu.memory_space<vmem>>
    %dma_wait3A_174 = tpu.memref_squeeze %dma_wait3A_173 : memref<1x256x128xf32, #tpu.memory_space<vmem>> -> memref<256x128xf32, #tpu.memory_space<vmem>>
    %dma_wait3A_175 = arith.constant 0 : i32
    %dma_wait3A_176 = tpu.memref_slice %arg4[%mul3A_168, %dma_wait3A_175] : memref<819200x128xf32, #tpu.memory_space<hbm>> -> memref<256x128xf32, #tpu.memory_space<hbm>>
    %dma_wait3A_177 = tpu.memref_slice %arg8[%dma_wait3A_170] : memref<3x!tpu.dma_semaphore, #tpu.memory_space<semaphore_mem>> -> memref<1x!tpu.dma_semaphore, #tpu.memory_space<semaphore_mem>>
    %dma_wait3A_178 = tpu.memref_squeeze %dma_wait3A_177 : memref<1x!tpu.dma_semaphore, #tpu.memory_space<semaphore_mem>> -> memref<!tpu.dma_semaphore, #tpu.memory_space<semaphore_mem>>
    %dma_wait3A_179 = arith.constant 0 : i32
    %dma_wait3A_180 = tpu.memref_slice %arg4[%mul3A_168, %dma_wait3A_179] : memref<819200x128xf32, #tpu.memory_space<hbm>> -> memref<256x128xf32, #tpu.memory_space<hbm>>
    %dma_wait3A_181 = arith.constant 0 : i32
    %dma_wait3A_182 = arith.constant 0 : i32
    %dma_wait3A_183 = tpu.memref_slice %arg6[%dma_wait3A_169, %dma_wait3A_181, %dma_wait3A_182] : memref<3x256x128xf32, #tpu.memory_space<vmem>> -> memref<1x256x128xf32, #tpu.memory_space<vmem>>
    %dma_wait3A_184 = tpu.memref_squeeze %dma_wait3A_183 : memref<1x256x128xf32, #tpu.memory_space<vmem>> -> memref<256x128xf32, #tpu.memory_space<vmem>>
    tpu.wait_dma2 semaphore(%dma_wait3A_178 : memref<!tpu.dma_semaphore, #tpu.memory_space<semaphore_mem>>) src(%dma_wait3A_184 : memref<256x128xf32, #tpu.memory_space<vmem>>) dst(%dma_wait3A_180 : memref<256x128xf32, #tpu.memory_space<hbm>>)
    %add3A_185 = arith.constant 196 : i32
    %add3A_186 = arith.addi %mul3A_2, %add3A_185 : i32
    %mul3A_187 = arith.constant 128 : i32
    %mul3A_188 = arith.muli %add3A_186, %mul3A_187 : i32
    %dma_wait3A_189 = arith.constant 2 : i32
    %dma_wait3A_190 = arith.constant 2 : i32
    %dma_wait3A_191 = arith.constant 0 : i32
    %dma_wait3A_192 = arith.constant 0 : i32
    %dma_wait3A_193 = tpu.memref_slice %arg6[%dma_wait3A_189, %dma_wait3A_191, %dma_wait3A_192] : memref<3x256x128xf32, #tpu.memory_space<vmem>> -> memref<1x256x128xf32, #tpu.memory_space<vmem>>
    %dma_wait3A_194 = tpu.memref_squeeze %dma_wait3A_193 : memref<1x256x128xf32, #tpu.memory_space<vmem>> -> memref<256x128xf32, #tpu.memory_space<vmem>>
    %dma_wait3A_195 = arith.constant 0 : i32
    %dma_wait3A_196 = tpu.memref_slice %arg4[%mul3A_188, %dma_wait3A_195] : memref<819200x128xf32, #tpu.memory_space<hbm>> -> memref<256x128xf32, #tpu.memory_space<hbm>>
    %dma_wait3A_197 = tpu.memref_slice %arg8[%dma_wait3A_190] : memref<3x!tpu.dma_semaphore, #tpu.memory_space<semaphore_mem>> -> memref<1x!tpu.dma_semaphore, #tpu.memory_space<semaphore_mem>>
    %dma_wait3A_198 = tpu.memref_squeeze %dma_wait3A_197 : memref<1x!tpu.dma_semaphore, #tpu.memory_space<semaphore_mem>> -> memref<!tpu.dma_semaphore, #tpu.memory_space<semaphore_mem>>
    %dma_wait3A_199 = arith.constant 0 : i32
    %dma_wait3A_200 = tpu.memref_slice %arg4[%mul3A_188, %dma_wait3A_199] : memref<819200x128xf32, #tpu.memory_space<hbm>> -> memref<256x128xf32, #tpu.memory_space<hbm>>
    %dma_wait3A_201 = arith.constant 0 : i32
    %dma_wait3A_202 = arith.constant 0 : i32
    %dma_wait3A_203 = tpu.memref_slice %arg6[%dma_wait3A_189, %dma_wait3A_201, %dma_wait3A_202] : memref<3x256x128xf32, #tpu.memory_space<vmem>> -> memref<1x256x128xf32, #tpu.memory_space<vmem>>
    %dma_wait3A_204 = tpu.memref_squeeze %dma_wait3A_203 : memref<1x256x128xf32, #tpu.memory_space<vmem>> -> memref<256x128xf32, #tpu.memory_space<vmem>>
    tpu.wait_dma2 semaphore(%dma_wait3A_198 : memref<!tpu.dma_semaphore, #tpu.memory_space<semaphore_mem>>) src(%dma_wait3A_204 : memref<256x128xf32, #tpu.memory_space<vmem>>) dst(%dma_wait3A_200 : memref<256x128xf32, #tpu.memory_space<hbm>>)
    return
  }
}

</mosaic_0001>

<sc_bundles>
// kernel: kernel.3.cloned.1.call-start
scs
__scs_entry_jumppad:
0x0: {  	(pc) =	sbr.rel $0x88, $3  }
0x1: {  	(tag) =	ssettag $0x0;
	lr =	simm.s32 $0x1  }
0x2: {  	[smem:$0x3F9F] =	sst lr;
	_ =	strace $0xD0000000  }
0x3: {  	_ = 	snop  }
0x4: {  	_ = 	snop  }
0x5: {  	_ = 	snop  }
0x6: {  	_ = 	snop  }
0x7: {  	_ = 	snop  }
__scs_overlays_trampoline_lowered:
0x8: {  	[smem:$0x3FAE] =	sst s0  }
0x9: {  	[smem:$0x3FAF] =	sst s1  }
0xa: {  	[smem:$0x3FB0] =	sst s2  }
0xb: {  	[smem:$0x3FB1] =	sst s3  }
0xc: {  	[smem:$0x3FB2] =	sst s4  }
0xd: {  	[smem:$0x3FB3] =	sst s5  }
0xe: {  	[smem:$0x3FB4] =	sst s6  }
0xf: {  	[smem:$0x3FB5] =	sst s7  }
0x10: {  	[smem:$0x3FB6] =	sst s8  }
0x11: {  	[smem:$0x3FB7] =	sst s9;
	s0 =	simm.s32 @!p0 $0x0  }
0x12: {  	s1 =	sld [smem:$0x3F9D];
	s0 =	simm.s32 @p0 $0x1  }
0x13: {  	[smem:$0x3FB8] =	sst s0;
	s0 =	simm.s32 @!p1 $0x0  }
0x14: {  	s2 =	sld [smem:$0x3F9C];
	s0 =	simm.s32 @p1 $0x1  }
0x15: {  	[smem:$0x3FB9] =	sst s0;
	s0 =	simm.s32 @!p2 $0x0  }
0x16: {  	s3 =	sld [smem:$0x3FDB];
	s0 =	simm.s32 @p2 $0x1  }
0x17: {  	s4 =	simm.s32 $0x1BF5;
	[smem:$0x3FBB] =	sst s0  }
0x18: {  	s0 =	sld [smem:$0x3F9E];
	_ =	swait.ge [sflag:s4], $0x0  }
0x19: {  	s7 =	sld [smem:$0x3F9F]  }
0x1a: {  	s8 =	sadd.s32 $0xFFFFE003, lr  }
0x1b: {  	s9 =	sadd.s32 $0xFFFFFEF7, lr;
	s5 =	simm.s32 $0xFFFFFFFF;
	p2 =	slt.u32 s8, $0xFFFFF086  }
0x1c: {  	p1 =	slt.u32 s9, $0xF7A;
	s5 =	simm.s32 @!p2 $0x0  }
0x1d: {  	s5 =	simm.s32 @p1 $0x1;
	p0 =	seq.s32 s7, s2  }
0x1e: {  	s7 =	smul.u32 @!p0 $0xF7A, s2;
	p2 =	seq.s32 @!p0 s5, $0x0  }
0x1f: {  	s9 =	smul.u32 $0xF7A, s1;
	s8 =	simm.s32 @!p0 $0x1BF5;
	p2 =	por !p2, p0  }
0x20: {  	[sflag:s8] =	ssyncset.s32 @!p0 $0xFFFFF086;
	s6 =	sadd.s32 @!p0 s3, s7;
	s7 =	simm.s32 @!p0 $0x108  }
0x21: {  	s3 =	sadd.s32 s3, s9;
	s6 =	sadd.s32 @!p0 $0x88, s6;
	s7 =	simm.s32 @p2 $0x1082  }
0x22: {  	[simem:s7], [sflag:s8] =	dma.local @!p0 [hbm:s6], $0xF7A  }
0x23: {  	s9 =	sor.u32 $0xD0000000, s2;
	s6 =	simm.s32 $0x108;
	_ =	swait.ge @!p0 [sflag:s8], $0x0  }
0x24: {  	s3 =	sadd.s32 $0x88, s3;
	s6 =	simm.s32 @!p1 $0x1082;
	[sflag:s4] =	ssyncset.s32 $0xFFFFF086  }
0x25: {  	[simem:s6], [sflag:s4] =	dma.local [hbm:s3], $0xF7A  }
0x26: {  	[smem:$0x3F9F] =	sst s1;
	(tag) =	ssettag s2;
	_ =	strace s9  }
0x27: {  	s1 =	sld [smem:$0x3FAF]  }
0x28: {  	s2 =	sld [smem:$0x3FB0]  }
0x29: {  	s4 =	sld [smem:$0x3FB2]  }
0x2a: {  	p0 =	seq.s32 s5, $0x0;
	s5 =	sld [smem:$0x3FB3]  }
0x2b: {  	s6 =	sld [smem:$0x3FB4]  }
0x2c: {  	s7 =	sld [smem:$0x3FB5]  }
0x2d: {  	s3 =	simm.s32 $0x108;
	s8 =	sld [smem:$0x3FB6]  }
0x2e: {  	s3 =	simm.s32 @!p0 $0x1082;
	s9 =	sld [smem:$0x3FB7]  }
0x2f: {  	lr =	sadd.s32 s0, s3;
	s0 =	sld [smem:$0x3FAE]  }
0x30: {  	s3 =	sld [smem:$0x3FB1]  }
0x31: {  	[smem:$0x3FBA] =	sst s10  }
0x32: {  	s10 =	sld [smem:$0x3FB8];
	_ =	sdelay $0x3  }
0x33: {  	p0 =	seq.s32 s10, $0x1;
	s10 =	sld [smem:$0x3FBA];
	_ =	sdelay $0x3  }
0x34: {  	[smem:$0x3FBA] =	sst s10  }
0x35: {  	s10 =	sld [smem:$0x3FB9];
	_ =	sdelay $0x3  }
0x36: {  	p1 =	seq.s32 s10, $0x1;
	s10 =	sld [smem:$0x3FBA];
	_ =	sdelay $0x3  }
0x37: {  	[smem:$0x3FBA] =	sst s10  }
0x38: {  	s10 =	sld [smem:$0x3FBB]  }
0x39: {  	_ = 	snop;
	(pc) =	sbr.ind lr, $3  }
0x3a: {  	_ = 	snop  }
0x3b: {  	_ = 	snop  }
0x3c: {  	p2 =	seq.s32 s10, $0x1;
	s10 =	sld [smem:$0x3FBA]  }
0x3d: {  	_ =	shalt  }
0x3e: {  	_ =	shalt  }
0x3f: {  	_ =	shalt  }
0x40: {  	_ =	shalt  }
0x41: {  	_ =	shalt  }
0x42: {  	_ =	shalt  }
0x43: {  	_ =	shalt  }
0x44: {  	_ =	shalt  }
0x45: {  	_ =	shalt  }
0x46: {  	_ =	shalt  }
0x47: {  	_ =	shalt  }
0x48: {  	_ =	shalt  }
0x49: {  	_ =	shalt  }
0x4a: {  	_ =	shalt  }
0x4b: {  	_ =	shalt  }
0x4c: {  	_ =	shalt  }
0x4d: {  	_ =	shalt  }
0x4e: {  	_ =	shalt  }
0x4f: {  	_ =	shalt  }
0x50: {  	_ =	shalt  }
0x51: {  	_ =	shalt  }
0x52: {  	_ =	shalt  }
0x53: {  	_ =	shalt  }
0x54: {  	_ =	shalt  }
0x55: {  	_ =	shalt  }
0x56: {  	_ =	shalt  }
0x57: {  	_ =	shalt  }
0x58: {  	_ =	shalt  }
0x59: {  	_ =	shalt  }
0x5a: {  	_ =	shalt  }
0x5b: {  	_ =	shalt  }
0x5c: {  	_ =	shalt  }
0x5d: {  	_ =	shalt  }
0x5e: {  	_ =	shalt  }
0x5f: {  	_ =	shalt  }
0x60: {  	_ =	shalt  }
0x61: {  	_ =	shalt  }
0x62: {  	_ =	shalt  }
0x63: {  	_ =	shalt  }
0x64: {  	_ =	shalt  }
0x65: {  	_ =	shalt  }
0x66: {  	_ =	shalt  }
0x67: {  	_ =	shalt  }
0x68: {  	_ =	shalt  }
0x69: {  	_ =	shalt  }
0x6a: {  	_ =	shalt  }
0x6b: {  	_ =	shalt  }
0x6c: {  	_ =	shalt  }
0x6d: {  	_ =	shalt  }
0x6e: {  	_ =	shalt  }
0x6f: {  	_ =	shalt  }
0x70: {  	_ =	shalt  }
0x71: {  	_ =	shalt  }
0x72: {  	_ =	shalt  }
0x73: {  	_ =	shalt  }
0x74: {  	_ =	shalt  }
0x75: {  	_ =	shalt  }
0x76: {  	_ =	shalt  }
0x77: {  	_ =	shalt  }
0x78: {  	_ =	shalt  }
0x79: {  	_ =	shalt  }
0x7a: {  	_ =	shalt  }
0x7b: {  	_ =	shalt  }
0x7c: {  	_ =	shalt  }
0x7d: {  	_ =	shalt  }
0x7e: {  	_ =	shalt  }
0x7f: {  	_ =	shalt  }
0x80: {  	_ =	shalt  }
0x81: {  	_ =	shalt  }
0x82: {  	_ =	shalt  }
0x83: {  	_ =	shalt  }
0x84: {  	_ =	shalt  }
0x85: {  	_ =	shalt  }
0x86: {  	_ =	shalt  }
0x87: {  	_ =	shalt  }
.Lfunc_end0:
.L_simem_size_0:
called_computation_lowered:
.L_overlay_start_0:
0x88: {  	s2 =	sld [smem:$0x3FD9]  }
0x89: {  	s3 =	sld [smem:$0x3FFE];
	_ =	sdelay $0x1  }
0x8a: {  	s1 =	srdreg.scid  }
0x8b: {  	s0 =	sand.u32 $0x1, s1  }
0x8c: {  	s17 =	sshll.u32 s0, $0xA;
	s2 =	sadd.s32 s3, s2  }
0x8d: {  	s2 =	sadd.s32 s2, s17  }
0x8e: {  	[smem:$0x3FC6] =	sst s2  }
0x8f: {  	_ = 	snop  }
0x90: {  	s2 =	sld [smem:$0x3FC8]  }
0x91: {  	s18 =	sld [smem:$0x3FD0];
	(tm) =	ssettm $0x1  }
0x92: {  	s4 =	sld [smem:$0x3FFB];
	_ =	sdelay $0x3  }
0x93: {  	_ =	strace s4  }
0x94: {  	s4 =	sld [smem:$0x3FFC];
	_ =	sdelay $0x3  }
0x95: {  	_ =	strace s4  }
0x96: {  	s4 =	sld [smem:$0x3FFD];
	_ =	sdelay $0x3  }
0x97: {  	_ =	strace s4  }
0x98: {  	_ =	strace $0x8FFFFFFF  }
0x99: {  	s19 =	sld [smem:$0x3FDB];
	_ =	sdelay $0x1  }
0x9a: {  	s5 =	simm.s32 $_scs_section_size  }
0x9b: {  	s6 =	simm.s32 $_size__tile_overlayer_lowered;
	s7 =	simm.s32 $_tile_overlayer_lowered  }
0x9c: {  	s22 =	simm.s32 $0x1BFF;
	s21 =	sshll.u32 s7, $0x1;
	s4 =	sadd.s32 s5, s19  }
0x9d: {  	s8 =	simm.s32 $0x0;
	s20 =	sshll.u32 s6, $0x1;
	s6 =	sadd.s32 s21, s4  }
0x9e: {  	[timem:s8], [sflag:s22] =	dma.local [hbm:s6], s20  }
0x9f: {  	_ =	swait.ge [sflag:s22], s20  }
0xa0: {  	s5 =	ssub.s32 $0x0, s20;
	[sflag:s22] =	ssyncset.done $0x0  }
0xa1: {  	[sflag:s22] =	ssyncadd.s32 s5;
	_ =	sdelay $0x1  }
0xa2: {  	s23 =	simm.s32 $0x1B8B  }
0xa3: {  	_ =	swait.ge [sflag:s23], $0x1  }
0xa4: {  	[sflag:s23] =	ssyncset.done $0x0  }
0xa5: {  	s25 =	simm.s32 $0x1B8E;
	s24 =	sld [smem:$0x3FFE];
	[sflag:s23] =	ssyncadd.s32 $0xFFFFFFFF  }
0xa6: {  	s26 =	simm.s32 $execute0_lowered;
	[smem:$0x3FD2] =	sst s25  }
0xa7: {  	s6 =	sshll.u32 s26, $0x1;
	_ =	strace $0x80000046;
	[dreg:$0x1] =	wrdreg $0xFFFFFFFF  }
0xa8: {  	s28 =	simm.s32 $_size_execute0_lowered;
	s4 =	sadd.s32 s4, s6;
	[dreg:$0x0] =	wrdreg $0x0  }
0xa9: {  	s6 =	sshll.u32 s28, $0x1;
	[dreg:$0x2] =	wrdreg s4  }
0xaa: {  	[dreg:$0x3] =	wrdreg s6  }
0xab: {  	[dreg:$0x4] =	wrdreg $0xC0  }
0xac: {  	_ =	task [dreg:s8], $0x5FFFF  }
0xad: {  	[dreg:$0x1] =	wrdreg $0xFFFFFFFF  }
0xae: {  	[dreg:$0x0] =	wrdreg $0x60  }
0xaf: {  	[dreg:$0x2] =	wrdreg s24  }
0xb0: {  	[dreg:$0x3] =	wrdreg s2  }
0xb1: {  	[dreg:$0x4] =	wrdreg s18  }
0xb2: {  	[dreg:$0x5] =	wrdreg $0x9  }
0xb3: {  	_ =	task.clear_ibuf [dreg:s8], $0x6FFFF;
	_ =	strace $0x90000046  }
0xb4: {  	s29 =	simm.s32 $0x9;
	_ =	strace $0x80000048  }
0xb5: {  	_ =	swait.ge [sflag:s29], $0x1  }
0xb6: {  	[sflag:s29] =	ssyncadd.s32 $0xFFFFFFFF  }
0xb7: {  	_ =	strace $0x90000048  }
0xb8: {  	_ =	sfence  }
0xb9: {  	s30 =	sld [smem:$0x0];
	_ =	sdelay $0x2  }
0xba: {  	s31 =	sshll.u32 s1, $0xD;
	s1 =	sshrl.u32 s1, $0x2  }
0xbb: {  	s3 =	sand.u32 $0x4000, s31;
	s1 =	sadd.s32 s1, s30  }
0xbc: {  	s0 =	sor.u32 s3, s0;
	s1 =	sshll.u32 s1, $0x11  }
0xbd: {  	s0 =	sor.u32 s1, s0  }
0xbe: {  	s0 =	sadd.s32 $0x8F2B, s0  }
0xbf: {  	[sflag:s0] =	ssyncadd.remote.s32 $0x1  }
0xc0: {  	_ =	sfence.sel $0xFFFF  }
0xc1: {  	[dreg:$0x0] =	wrdreg $0xFFFFFFFF;
	(pc) =	sbr.abs _section_cstart, $3  }
0xc2: {  	[dreg:$0x1] =	wrdreg $0xFFFFFFFF  }
0xc3: {  	_ =	task.clear_ibuf [dreg:s8], $0x2FFFF;
	_ =	strace $0x9FFFFFFF  }
0xc4: {  	(tm) =	ssettm $0x7FFFFFFF  }
0xc5: {  	_ =	shalt  }
tec
execute0_lowered:
.L_overlay_start_1:
0x0: {  	(tag) =	ssettag $0x1  }
0x1: {  	s0 =	rddreg [dreg:$0x0]  }
0x2: {  	s2 =	rddreg [dreg:$0x1];
	s1 =	srdreg.scid  }
0x3: {  	s12 =	stileid.u32;
	s10 =	rddreg [dreg:$0x2];
	s3 =	simm.s32 $0x0  }
0x4: {  	s13 =	simm.s32 $0x7;
	s14 =	simm.s32 $0x80;
	s15 =	simm.s32 $0x6400  }
0x5: {  	s16 =	simm.s32 $0xA400;
	s18 =	simm.s32 $0xE400;
	s9 =	smul.u32 $0x190, s12  }
0x6: {  	s28 =	simm.s32 $0x3;
	s1 =	sand.u32 $0x1, s1;
	s23 =	smul.u32 $0xC8000, s12  }
0x7: {  	s29 =	simm.s32 $0x4;
	s4 =	sshll.u32 s12, $0x1;
	s11 =	smul.u32 $0xC8, s1  }
0x8: {  	s4 =	sor.u32 s1, s4;
	s6 =	ssub.s32 $0x2, s1;
	s1 =	smul.u32 $0x64000, s1  }
0x9: {  	s30 =	simm.s32 $0x5;
	s31 =	simm.s32 $0x6;
	s5 =	smul.u32 $0xC80, s4  }
0xa: {  	s17 =	simm.s32 $0x0;
	[smem:$0x7FF] =	sst s3;
	s7 =	smul.u32 $0x320000, s4  }
0xb: {  	_ =	strace $0x80000047;
	s19 =	sshrl.u32 s6, $0x1;
	s8 =	smul.u32 $0x64000, s4  }
0xc: {  	s26 =	sadd.s32 s23, s10;
	s6 =	ssub.s32 s6, s19;
	s9 =	sadd.s32 s11, s9  }
0xd: {  	s12 =	sadd.s32 s1, s26;
	s26 =	simm.s32 $0x2;
	s0 =	sadd.s32 s5, s0  }
0xe: {  	s20 =	sshrl.u32 s7, $0x3;
	s6 =	smax.u32 s6, $0x1;
	s22 =	sadd.s32 s10, s8  }
0xf: {  	s24 =	sshll.u32 s9, $0xB;
	s0 =	sadd.s32 $0x400, s0;
	s21 =	sadd.s32 s10, s20  }
0x10: {  	s7 =	sadd.s32 $0x60000, s22;
	s8 =	sadd.s32 $0x61000, s22;
	s9 =	sadd.s32 $0x62000, s22  }
0x11: {  	s25 =	sadd.s32 s24, s10;
	s20 =	simm.s32 $0x12400;
	s22 =	simm.s32 $0x16400  }
0x12: {  	s24 =	simm.s32 $0x1A400;
	[dreg:$0x4] =	wrdreg s0;
	s5 =	sadd.s32 $0x63000, s21  }
0x13: {  	s10 =	sadd.s32 $0x2000, s25;
	s11 =	sadd.s32 $0x1000, s25;
	s25 =	simm.s32 $0x1  }
.LBB2_1:
0x14: {  	s0 =	rddreg [dreg:$0x4]  }
0x15: {  	[tilespmem:s3], [sflag:$0x7] =	stream.linear.gather [hbm4b:s0+s3], $0x6400, $0x38;
	[tilespmem:$0x1E400] =	vst v63  }
0x16: {  	_ =	swait.ge [sflag:s13], $0x6400  }
0x17: {  	[sflag:s13] =	ssyncset.done $0x0  }
0x18: {  	[sflag:s13] =	ssyncadd.s32 $0xFFFF9C00  }
0x19: {  	[tilespmem:s15], [sflag:$0x1] =	stream.indirect.gather [hbm4b:s2+s14], $0x80, s3, s14, $0xb8;
	[tilespmem:$0x1E400] =	vst v63  }
0x1a: {  	_ = 	snop  }
0x1b: {  	[tilespmem:s16], [sflag:$0x1] =	stream.indirect.gather [hbm4b:s2+s14], $0x80, s14, s14, $0xb8;
	[tilespmem:$0x1E400] =	vst v63  }
0x1c: {  	s4 =	simm.s32 $0x100  }
0x1d: {  	[tilespmem:s18], [sflag:$0x2] =	stream.indirect.gather [hbm4b:s2+s14], $0x80, s4, s14, $0xb8;
	[tilespmem:$0x1E400] =	vst v63  }
0x1e: {  	s19 =	simm.s32 $0x180  }
0x1f: {  	[tilespmem:s20], [sflag:$0x2] =	stream.indirect.gather [hbm4b:s2+s14], $0x80, s19, s14, $0xb8;
	[tilespmem:$0x1E400] =	vst v63  }
0x20: {  	s21 =	simm.s32 $0x200  }
0x21: {  	[tilespmem:s22], [sflag:$0x3] =	stream.indirect.gather [hbm4b:s2+s14], $0x80, s21, s14, $0xb8;
	[tilespmem:$0x1E400] =	vst v63  }
0x22: {  	s23 =	simm.s32 $0x280  }
0x23: {  	[tilespmem:s24], [sflag:$0x3] =	stream.indirect.gather [hbm4b:s2+s14], $0x80, s23, s14, $0xb8;
	[tilespmem:$0x1E400] =	vst v63  }
0x24: {  	_ =	swait.ge [sflag:s25], $0x4000  }
0x25: {  	[sflag:s25] =	ssyncset.done $0x0  }
0x26: {  	[sflag:s25] =	ssyncadd.s32 $0xFFFFC000  }
0x27: {  	_ =	swait.ge [sflag:s25], $0x4000  }
0x28: {  	[sflag:s25] =	ssyncset.done $0x0  }
0x29: {  	[sflag:s25] =	ssyncadd.s32 $0xFFFFC000  }
0x2a: {  	[hbm4b:s12+s3] =	stream.linear.scatter [tilespmem:s15], [sflag:$0x4], $0x8000, $0x38;
	[tilespmem:$0x1E400] =	vst v63  }
0x2b: {  	_ =	swait.ge [sflag:s26], $0x4000  }
0x2c: {  	[sflag:s26] =	ssyncset.done $0x0  }
0x2d: {  	[sflag:s26] =	ssyncadd.s32 $0xFFFFC000  }
0x2e: {  	_ =	swait.ge [sflag:s26], $0x4000  }
0x2f: {  	[sflag:s26] =	ssyncset.done $0x0  }
0x30: {  	[sflag:s26] =	ssyncadd.s32 $0xFFFFC000  }
0x31: {  	[hbm4b:s11+s3] =	stream.linear.scatter [tilespmem:s18], [sflag:$0x5], $0x8000, $0x38;
	[tilespmem:$0x1E400] =	vst v63  }
0x32: {  	_ =	swait.ge [sflag:s28], $0x4000  }
0x33: {  	[sflag:s28] =	ssyncset.done $0x0  }
0x34: {  	[sflag:s28] =	ssyncadd.s32 $0xFFFFC000  }
0x35: {  	_ =	swait.ge [sflag:s28], $0x4000  }
0x36: {  	[sflag:s28] =	ssyncset.done $0x0  }
0x37: {  	[sflag:s28] =	ssyncadd.s32 $0xFFFFC000  }
0x38: {  	[hbm4b:s10+s3] =	stream.linear.scatter [tilespmem:s22], [sflag:$0x6], $0x8000, $0x38;
	[tilespmem:$0x1E400] =	vst v63  }
0x39: {  	_ =	swait.ge [sflag:s29], $0x8000  }
0x3a: {  	[sflag:s29] =	ssyncset.done $0x0  }
0x3b: {  	s1 =	simm.s32 $0x300;
	[sflag:s29] =	ssyncadd.s32 $0xFFFF8000  }
0x3c: {  	[tilespmem:s15], [sflag:$0x1] =	stream.indirect.gather [hbm4b:s2+s14], $0x80, s1, s14, $0xb8;
	[tilespmem:$0x1E400] =	vst v63  }
0x3d: {  	s4 =	simm.s32 $0x380  }
0x3e: {  	[tilespmem:s16], [sflag:$0x1] =	stream.indirect.gather [hbm4b:s2+s14], $0x80, s4, s14, $0xb8;
	[tilespmem:$0x1E400] =	vst v63  }
0x3f: {  	_ =	swait.ge [sflag:s30], $0x8000  }
0x40: {  	[sflag:s30] =	ssyncset.done $0x0  }
0x41: {  	s19 =	simm.s32 $0x400;
	[sflag:s30] =	ssyncadd.s32 $0xFFFF8000  }
0x42: {  	[tilespmem:s18], [sflag:$0x2] =	stream.indirect.gather [hbm4b:s2+s14], $0x80, s19, s14, $0xb8;
	[tilespmem:$0x1E400] =	vst v63  }
0x43: {  	s21 =	simm.s32 $0x480  }
0x44: {  	[tilespmem:s20], [sflag:$0x2] =	stream.indirect.gather [hbm4b:s2+s14], $0x80, s21, s14, $0xb8;
	[tilespmem:$0x1E400] =	vst v63  }
0x45: {  	_ =	swait.ge [sflag:s31], $0x8000  }
0x46: {  	s0 =	simm.s32 $0x580;
	[sflag:s31] =	ssyncset.done $0x0  }
0x47: {  	s23 =	simm.s32 $0x500;
	s1 =	sadd.s32 $0x3000, s11;
	[sflag:s31] =	ssyncadd.s32 $0xFFFF8000  }
0x48: {  	[tilespmem:s22], [sflag:$0x3] =	stream.indirect.gather [hbm4b:s2+s14], $0x80, s23, s14, $0xb8;
	[tilespmem:$0x1E400] =	vst v63  }
0x49: {  	s19 =	simm.s32 $0xC00;
	s21 =	sadd.s32 $0x3000, s12;
	s23 =	sadd.s32 $0x3000, s10  }
.LBB2_2:
0x4a: {  	[tilespmem:s24], [sflag:$0x3] =	stream.indirect.gather [hbm4b:s2+s14], $0x80, s0, s14, $0xb8;
	[tilespmem:$0x1E400] =	vst v63  }
0x4b: {  	s0 =	smov.u32 s19  }
0x4c: {  	p0 =	sne.s32 s19, $0x17400;
	s19 =	sadd.s32 $0xC00, s19;
	_ =	swait.ge [sflag:s25], $0x4000  }
0x4d: {  	[sflag:s25] =	ssyncset.done $0x0  }
0x4e: {  	[sflag:s25] =	ssyncadd.s32 $0xFFFFC000  }
0x4f: {  	_ =	swait.ge [sflag:s25], $0x4000  }
0x50: {  	[sflag:s25] =	ssyncset.done $0x0  }
0x51: {  	[sflag:s25] =	ssyncadd.s32 $0xFFFFC000  }
0x52: {  	[hbm4b:s21+s3] =	stream.linear.scatter [tilespmem:s15], [sflag:$0x4], $0x8000, $0x38;
	[tilespmem:$0x1E400] =	vst v63  }
0x53: {  	_ =	swait.ge [sflag:s26], $0x4000  }
0x54: {  	[sflag:s26] =	ssyncset.done $0x0  }
0x55: {  	[sflag:s26] =	ssyncadd.s32 $0xFFFFC000  }
0x56: {  	_ =	swait.ge [sflag:s26], $0x4000  }
0x57: {  	[sflag:s26] =	ssyncset.done $0x0  }
0x58: {  	[sflag:s26] =	ssyncadd.s32 $0xFFFFC000  }
0x59: {  	[hbm4b:s1+s3] =	stream.linear.scatter [tilespmem:s18], [sflag:$0x5], $0x8000, $0x38;
	[tilespmem:$0x1E400] =	vst v63  }
0x5a: {  	_ =	swait.ge [sflag:s28], $0x4000  }
0x5b: {  	[sflag:s28] =	ssyncset.done $0x0  }
0x5c: {  	[sflag:s28] =	ssyncadd.s32 $0xFFFFC000  }
0x5d: {  	_ =	swait.ge [sflag:s28], $0x4000  }
0x5e: {  	[sflag:s28] =	ssyncset.done $0x0  }
0x5f: {  	[sflag:s28] =	ssyncadd.s32 $0xFFFFC000  }
0x60: {  	[hbm4b:s23+s3] =	stream.linear.scatter [tilespmem:s22], [sflag:$0x6], $0x8000, $0x38;
	[tilespmem:$0x1E400] =	vst v63  }
0x61: {  	_ =	swait.ge [sflag:s29], $0x8000  }
0x62: {  	s0 =	sshra.s32 s0, $0x2;
	[sflag:s29] =	ssyncset.done $0x0  }
0x63: {  	s4 =	sadd.s32 $0x300, s0;
	[sflag:s29] =	ssyncadd.s32 $0xFFFF8000  }
0x64: {  	[tilespmem:s15], [sflag:$0x1] =	stream.indirect.gather [hbm4b:s2+s14], $0x80, s4, s14, $0xb8;
	[tilespmem:$0x1E400] =	vst v63  }
0x65: {  	s4 =	sadd.s32 $0x380, s0  }
0x66: {  	[tilespmem:s16], [sflag:$0x1] =	stream.indirect.gather [hbm4b:s2+s14], $0x80, s4, s14, $0xb8;
	[tilespmem:$0x1E400] =	vst v63  }
0x67: {  	_ =	swait.ge [sflag:s30], $0x8000  }
0x68: {  	[sflag:s30] =	ssyncset.done $0x0  }
0x69: {  	s4 =	sadd.s32 $0x400, s0;
	[sflag:s30] =	ssyncadd.s32 $0xFFFF8000  }
0x6a: {  	[tilespmem:s18], [sflag:$0x2] =	stream.indirect.gather [hbm4b:s2+s14], $0x80, s4, s14, $0xb8;
	[tilespmem:$0x1E400] =	vst v63  }
0x6b: {  	s4 =	sadd.s32 $0x480, s0  }
0x6c: {  	[tilespmem:s20], [sflag:$0x2] =	stream.indirect.gather [hbm4b:s2+s14], $0x80, s4, s14, $0xb8;
	[tilespmem:$0x1E400] =	vst v63  }
.Ltmp0:
0x6d: {  	_ =	swait.ge [sflag:s31], $0x8000;
	(pc) =	sbr.rel @p0 .LBB2_2-.Ltmp0, $4  }
0x6e: {  	[sflag:s31] =	ssyncset.done $0x0  }
0x6f: {  	s21 =	sadd.s32 $0x3000, s21;
	s4 =	sadd.s32 $0x500, s0;
	[sflag:s31] =	ssyncadd.s32 $0xFFFF8000  }
0x70: {  	[tilespmem:s22], [sflag:$0x3] =	stream.indirect.gather [hbm4b:s2+s14], $0x80, s4, s14, $0xb8;
	[tilespmem:$0x1E400] =	vst v63  }
0x71: {  	s1 =	sadd.s32 $0x3000, s1;
	s23 =	sadd.s32 $0x3000, s23;
	s0 =	sadd.s32 $0x580, s0  }
0x72: {  	[tilespmem:s24], [sflag:$0x3] =	stream.indirect.gather [hbm4b:s2+s14], $0x80, s0, s14, $0xb8;
	[tilespmem:$0x1E400] =	vst v63  }
0x73: {  	_ =	swait.ge [sflag:s25], $0x4000  }
0x74: {  	[sflag:s25] =	ssyncset.done $0x0  }
0x75: {  	[sflag:s25] =	ssyncadd.s32 $0xFFFFC000  }
0x76: {  	_ =	swait.ge [sflag:s25], $0x4000  }
0x77: {  	[sflag:s25] =	ssyncset.done $0x0  }
0x78: {  	[sflag:s25] =	ssyncadd.s32 $0xFFFFC000  }
0x79: {  	[hbm4b:s7+s3] =	stream.linear.scatter [tilespmem:s15], [sflag:$0x4], $0x8000, $0x38;
	[tilespmem:$0x1E400] =	vst v63  }
0x7a: {  	_ =	swait.ge [sflag:s26], $0x4000  }
0x7b: {  	[sflag:s26] =	ssyncset.done $0x0  }
0x7c: {  	[sflag:s26] =	ssyncadd.s32 $0xFFFFC000  }
0x7d: {  	_ =	swait.ge [sflag:s26], $0x4000  }
0x7e: {  	[sflag:s26] =	ssyncset.done $0x0  }
0x7f: {  	[sflag:s26] =	ssyncadd.s32 $0xFFFFC000  }
0x80: {  	[hbm4b:s8+s3] =	stream.linear.scatter [tilespmem:s18], [sflag:$0x5], $0x8000, $0x38;
	[tilespmem:$0x1E400] =	vst v63  }
0x81: {  	_ =	swait.ge [sflag:s28], $0x4000  }
0x82: {  	[sflag:s28] =	ssyncset.done $0x0  }
0x83: {  	[sflag:s28] =	ssyncadd.s32 $0xFFFFC000  }
0x84: {  	_ =	swait.ge [sflag:s28], $0x4000  }
0x85: {  	[sflag:s28] =	ssyncset.done $0x0  }
0x86: {  	[sflag:s28] =	ssyncadd.s32 $0xFFFFC000  }
0x87: {  	[hbm4b:s9+s3] =	stream.linear.scatter [tilespmem:s22], [sflag:$0x6], $0x8000, $0x38;
	[tilespmem:$0x1E400] =	vst v63  }
0x88: {  	_ =	swait.ge [sflag:s29], $0x8000  }
0x89: {  	[sflag:s29] =	ssyncset.done $0x0  }
0x8a: {  	s21 =	simm.s32 $0x6300;
	[sflag:s29] =	ssyncadd.s32 $0xFFFF8000  }
0x8b: {  	[tilespmem:s15], [sflag:$0x1] =	stream.indirect.gather [hbm4b:s2+s14], $0x80, s21, s14, $0xb8;
	[tilespmem:$0x1E400] =	vst v63  }
0x8c: {  	s23 =	simm.s32 $0x6380  }
0x8d: {  	[tilespmem:s16], [sflag:$0x1] =	stream.indirect.gather [hbm4b:s2+s14], $0x80, s23, s14, $0xb8;
	[tilespmem:$0x1E400] =	vst v63  }
0x8e: {  	_ =	swait.ge [sflag:s25], $0x4000  }
0x8f: {  	[sflag:s25] =	ssyncset.done $0x0  }
0x90: {  	[sflag:s25] =	ssyncadd.s32 $0xFFFFC000  }
0x91: {  	_ =	swait.ge [sflag:s25], $0x4000  }
0x92: {  	[sflag:s25] =	ssyncset.done $0x0  }
0x93: {  	[sflag:s25] =	ssyncadd.s32 $0xFFFFC000  }
0x94: {  	[hbm4b:s5+s3] =	stream.linear.scatter [tilespmem:s15], [sflag:$0x4], $0x8000, $0x38;
	[tilespmem:$0x1E400] =	vst v63  }
0x95: {  	_ =	swait.ge [sflag:s29], $0x8000  }
0x96: {  	[sflag:s29] =	ssyncset.done $0x0  }
0x97: {  	s17 =	sadd.s32 $0x1, s17;
	[sflag:s29] =	ssyncadd.s32 $0xFFFF8000  }
0x98: {  	p0 =	sne.s32 s17, s6;
	_ =	swait.ge [sflag:s30], $0x8000  }
.Ltmp1:
0x99: {  	[sflag:s30] =	ssyncset.done $0x0;
	(pc) =	sbr.rel @p0 .LBB2_1-.Ltmp1, $4  }
0x9a: {  	[sflag:s30] =	ssyncadd.s32 $0xFFFF8000  }
0x9b: {  	_ =	swait.ge [sflag:s31], $0x8000  }
0x9c: {  	[sflag:s31] =	ssyncset.done $0x0  }
0x9d: {  	[sflag:s31] =	ssyncadd.s32 $0xFFFF8000  }
0x9e: {  	_ =	sfence.sel $0x180000  }
0x9f: {  	[bflag:$0x0] =	sbarrier.arrive $0xFFFF  }
0xa0: {  	_ =	strace $0x90000047  }
0xa1: {  	s0 =	stileid.u32;
	[bflag:$0x2] =	sbarrier.arrive $0xFFFF  }
0xa2: {  	p0 =	sne.s32 s0, $0x0;
	s0 =	rddreg [dreg:$0x3]  }
0xa3: {  	s0 =	sadd.s32 @!p0 $0x100000, s0  }
0xa4: {  	[sflag:s0] =	ssyncadd.tile.s32 @!p0 $0x1;
	_ =	shalt  }
.Lfunc_end2:
_tile_overlayer_lowered:
.L_overlay_start_2:
0xa5: {  	(tag) =	ssettag $0x2  }
0xa6: {  	s0 =	rddreg [dreg:$0x0];
	s2 =	stileid.u32  }
0xa7: {  	s1 =	rddreg [dreg:$0x1];
	p0 =	sne.s32 s2, $0x0  }
0xa8: {  	s3 =	rddreg [dreg:$0x2];
	[bflag:$0x3] =	sbarrier.arrive $0xFFFF;
	s2 =	simm.s32 @!p0 $0x1C07  }
0xa9: {  	[timem:s3], [sflag:s2] =	dma.local @!p0 [hbm:s0], s1  }
0xaa: {  	s0 =	simm.s32 @!p0 $0x7  }
0xab: {  	_ =	swait.ge @!p0 [sflag:s0], s1  }
0xac: {  	s1 =	ssub.s32 @!p0 $0x0, s1;
	[sflag:s0] =	ssyncset.done @!p0 $0x0  }
0xad: {  	[sflag:s0] =	ssyncadd.s32 @!p0 s1  }
0xae: {  	[bflag:$0x3] =	sbarrier.arrive $0xFFFF  }
0xaf: {  	_ =	shalt  }

</sc_bundles>
